<compile_context>
chip_gen: v7x
topology: tpu7x:2x2x1
jax: 0.10.2.dev20260603
libtpu: 0.0.44.dev20260713+nightly
codegen_flags: <defaults>
</compile_context>

<pallas_src>
import functools

import jax
import jax.numpy as jnp
from jax import lax
from jax.experimental import pallas as pl
from jax.experimental.pallas import tpu as pltpu
from jax.experimental.pallas import tpu_sc as plsc

N = 10000
NPAD = 10240
E = 320000
K = 8
D = 16
TILES = 16
RPT = NPAD // TILES
CHUNK = 128
SCH = 158
RCH = SCH + 2
EPT = SCH * CHUNK
EPAD = EPT * TILES


def _rsqrt16(x):
    i = plsc.bitcast(x, jnp.int32)
    i = 0x5F3759DF - lax.shift_right_logical(i, 1)
    y = plsc.bitcast(i, jnp.float32)
    for _ in range(3):
        y = y * (1.5 - 0.5 * x * y * y)
    return y


def _sc_propagate(z, row_g, col_g, bias16):
    mesh = plsc.VectorSubcoreMesh(
        core_axis_name="c", subcore_axis_name="s", num_cores=1
    )

    @functools.partial(
        pl.kernel,
        out_type=jax.ShapeDtypeStruct((NPAD, D), jnp.float32),
        mesh=mesh,
        scratch_types=[
            pltpu.VMEM_SHARED((NPAD, D), jnp.float32),
            pltpu.VMEM_SHARED((NPAD, D), jnp.float32),
            pltpu.VMEM((RCH, CHUNK), jnp.int32),
            pltpu.VMEM((SCH, CHUNK), jnp.int32),
            pltpu.VMEM((CHUNK, D), jnp.float32),
            pltpu.VMEM((CHUNK, D), jnp.float32),
            pltpu.VMEM((RPT, D), jnp.float32),
            pltpu.VMEM((RPT, D), jnp.float32),
            pltpu.VMEM((RPT, D), jnp.float32),
            pltpu.VMEM((RPT, D), jnp.float32),
            pltpu.VMEM((D,), jnp.float32),
            pltpu.SemaphoreType.DMA,
            pltpu.SemaphoreType.DMA,
        ],
        compiler_params=pltpu.CompilerParams(
            needs_layout_passes=False, use_tc_tiling_on_sc=False
        ),
    )
    def body(z_hbm, row_hbm, col_hbm, bias_hbm, h_hbm,
             nxt_sh, t_sh, row_v, col_v, msg0, msg1, tv, hv, dv, av, bv,
             sem0, sem1):
        tid = lax.axis_index("s")
        sl = pl.ds(tid * RPT, RPT)

        pltpu.sync_copy(row_hbm.at[tid], row_v)
        pltpu.sync_copy(col_hbm.at[tid], col_v)
        pltpu.sync_copy(bias_hbm, bv)

        @plsc.parallel_loop(0, CHUNK, unroll=8)
        def fill_ones(i):
            msg0[i, :] = jnp.ones((D,), jnp.float32)

        @plsc.parallel_loop(0, RPT, unroll=8)
        def fill_zero(i):
            av[i, :] = jnp.zeros((D,), jnp.float32)
        pltpu.sync_copy(av, nxt_sh.at[sl])
        plsc.subcore_barrier()

        def deg_fire(j, c):
            pltpu.async_copy(msg0, nxt_sh.at[col_v.at[j]], ssem_d, add=True)
            return c

        def deg_drain(j, c):
            pltpu.make_async_copy(msg0, nxt_sh.at[pl.ds(0, CHUNK)],
                                  ssem_d).wait()
            return c

        ssem_d = sem1
        lax.fori_loop(0, SCH, deg_fire, 0)
        lax.fori_loop(0, SCH, deg_drain, 0)
        plsc.subcore_barrier()

        pltpu.sync_copy(nxt_sh.at[sl], av)
        pltpu.sync_copy(z_hbm.at[sl], tv)
        b = bv[:]

        @plsc.parallel_loop(0, RPT, unroll=8)
        def init_rows(i):
            deg = av[i, :] + 1.0
            y = _rsqrt16(deg)
            dv[i, :] = y
            tv[i, :] = y * tv[i, :]
            hv[i, :] = b
            av[i, :] = jnp.zeros((D,), jnp.float32)
        pltpu.sync_copy(tv, t_sh.at[sl])
        pltpu.sync_copy(av, nxt_sh.at[sl])
        plsc.subcore_barrier()

        def gather(j, buf, sem):
            pltpu.async_copy(t_sh.at[row_v.at[j]], buf, sem)

        def gwait(buf, sem):
            pltpu.make_async_copy(t_sh.at[pl.ds(0, CHUNK)], buf, sem).wait()

        def hop(k, c):
            gather(0, msg0, sem0)
            gather(1, msg1, sem1)

            def pipe(i, cc):
                jj = 2 * i
                gwait(msg0, sem0)
                pltpu.sync_copy(msg0, nxt_sh.at[col_v.at[jj]], add=True)
                gather(jj + 2, msg0, sem0)
                gwait(msg1, sem1)
                pltpu.sync_copy(msg1, nxt_sh.at[col_v.at[jj + 1]], add=True)
                gather(jj + 3, msg1, sem1)
                return cc

            lax.fori_loop(0, SCH // 2, pipe, 0)
            gwait(msg0, sem0)
            gwait(msg1, sem1)
            plsc.subcore_barrier()

            pltpu.sync_copy(nxt_sh.at[sl], av)

            @plsc.parallel_loop(0, RPT, unroll=8)
            def rowu(i):
                cur = dv[i, :] * (av[i, :] + tv[i, :])
                hv[i, :] = hv[i, :] + cur
                tv[i, :] = dv[i, :] * cur
                av[i, :] = jnp.zeros((D,), jnp.float32)
            pltpu.sync_copy(tv, t_sh.at[sl])
            pltpu.sync_copy(av, nxt_sh.at[sl])
            plsc.subcore_barrier()
            return c

        lax.fori_loop(0, K, hop, 0)
        pltpu.sync_copy(hv, h_hbm.at[sl])

    return body(z, row_g, col_g, bias16)


def _tc_project(x_pad, wt):
    def mm(x_ref, w_ref, o_ref):
        o_ref[:, :] = jnp.dot(x_ref[:, :], w_ref[:, :],
                              preferred_element_type=jnp.float32)

    blk = 1024
    return pl.pallas_call(
        mm,
        grid=(NPAD // blk,),
        in_specs=[
            pl.BlockSpec((blk, 128), lambda i: (i, 0)),
            pl.BlockSpec((128, D), lambda i: (0, 0)),
        ],
        out_specs=pl.BlockSpec((blk, D), lambda i: (i, 0)),
        out_shape=jax.ShapeDtypeStruct((NPAD, D), jnp.float32),
    )(x_pad, wt)


def kernel(x, edge_index, conv_w, conv_b, lin_w, lin_b):
    f32 = jnp.float32
    wc = (lin_w @ conv_w) * (1.0 / K)
    bias = lin_w @ conv_b + lin_b
    bias16 = jnp.zeros((D,), f32).at[:7].set(bias)
    wcp = jnp.zeros((D, 128), f32).at[:7, :].set(wc)

    x_pad = jnp.zeros((NPAD, 128), f32).at[:N].set(x)
    z = _tc_project(x_pad, wcp.T)

    row = edge_index[0]
    col = edge_index[1]
    pad = jnp.full((EPAD - E,), N, jnp.int32)
    row_p = jnp.concatenate([row, pad]).reshape(TILES, SCH, CHUNK)
    row_g = jnp.zeros((TILES, RCH, CHUNK), jnp.int32).at[:, :SCH, :].set(row_p)
    col_g = jnp.concatenate([col, pad]).reshape(TILES, SCH, CHUNK)

    h = _sc_propagate(z, row_g, col_g, bias16)
    return h[:N, :7]

# --- scband reference (transcript-rebuilt; emitter-appended) ---
"""Pipeline reference for scband-ssgc-50405736186129 (READ-ONLY COPY).

The authoritative reference and input builder live on the scoring server;
editing this copy changes nothing except your own understanding.
"""

import jax, jax.numpy as jnp
import numpy as np

N = 10000
E = 320000
D_IN = 128
HIDDEN = 128
K = 8
ALPHA = 0.0
NUM_CLASSES = 7


def setup_inputs(seed: int = 0):
    key = jax.random.key(seed)
    k1, k2, k3, k4, k5, k6 = jax.random.split(key, 6)
    x = jax.random.normal(k1, (N, D_IN), dtype=jnp.float32)
    edge_index = jax.random.randint(k2, (2, E), 0, N, dtype=jnp.int32)
    conv_w = jax.random.normal(k3, (HIDDEN, D_IN), dtype=jnp.float32) * (1.0 / np.sqrt(D_IN))
    conv_b = jnp.zeros((HIDDEN,), dtype=jnp.float32)
    lin_w = jax.random.normal(k4, (NUM_CLASSES, HIDDEN), dtype=jnp.float32) * (1.0 / np.sqrt(HIDDEN))
    lin_b = jnp.zeros((NUM_CLASSES,), dtype=jnp.float32)
    return {"x": x, "edge_index": edge_index, "conv_w": conv_w, "conv_b": conv_b, "lin_w": lin_w, "lin_b": lin_b}


def gcn_norm(edge_index, num_nodes):
    # PyG gcn_norm: add self loops, symmetric normalization D^-1/2 A D^-1/2
    row, col = edge_index[0], edge_index[1]
    loop = jnp.arange(num_nodes, dtype=row.dtype)
    row = jnp.concatenate([row, loop])
    col = jnp.concatenate([col, loop])
    ew = jnp.ones(row.shape[0], dtype=jnp.float32)
    deg = jnp.zeros((num_nodes,), jnp.float32).at[col].add(ew)
    dis = jnp.where(deg > 0, 1.0 / jnp.sqrt(deg), 0.0)
    norm = dis[row] * ew * dis[col]
    return row, col, norm


def reference(x, edge_index, conv_w, conv_b, lin_w, lin_b):
    num_nodes = x.shape[0]
    row, col, w = gcn_norm(edge_index, num_nodes)
    # SSGConv with alpha=0: h = (1/K) * sum_{k=1..K} A_hat^k x, then linear
    h = x * ALPHA
    cur = x
    for _ in range(K):
        msg = cur[row] * w[:, None]
        cur = jnp.zeros_like(cur).at[col].add(msg)
        h = h + (1.0 - ALPHA) / K * cur
    hidden = h @ conv_w.T + conv_b
    out = hidden @ lin_w.T + lin_b
    return out

if __name__ == "__main__":
    import jax
    _d = setup_inputs()
    print(jax.jit(kernel)(*tuple(_d.values())))

</pallas_src>

<mosaic_0001>
#map = affine_map<(d0, d1) -> (0, 0)>
#map1 = affine_map<(d0, d1) -> (0, 0, 0)>
#map2 = affine_map<(d0, d1) -> (0)>
module attributes {stable_mosaic.version = 14 : i64} {
  func.func @body(%arg0: i32, %arg1: i32, %arg2: memref<10240x16xf32, #tpu.memory_space<hbm>>, %arg3: memref<16x160x128xi32, #tpu.memory_space<hbm>>, %arg4: memref<16x158x128xi32, #tpu.memory_space<hbm>>, %arg5: memref<16xf32, #tpu.memory_space<hbm>>, %arg6: memref<10240x16xf32, #tpu.memory_space<hbm>>, %arg7: memref<10240x16xf32, #tpu.memory_space<vmem_shared>>, %arg8: memref<10240x16xf32, #tpu.memory_space<vmem_shared>>, %arg9: memref<160x128xi32, #tpu.memory_space<vmem>>, %arg10: memref<158x128xi32, #tpu.memory_space<vmem>>, %arg11: memref<128x16xf32, #tpu.memory_space<vmem>>, %arg12: memref<128x16xf32, #tpu.memory_space<vmem>>, %arg13: memref<640x16xf32, #tpu.memory_space<vmem>>, %arg14: memref<640x16xf32, #tpu.memory_space<vmem>>, %arg15: memref<640x16xf32, #tpu.memory_space<vmem>>, %arg16: memref<640x16xf32, #tpu.memory_space<vmem>>, %arg17: memref<16xf32, #tpu.memory_space<vmem>>, %arg18: memref<!tpu.dma_semaphore, #tpu.memory_space<semaphore_mem>>, %arg19: memref<!tpu.dma_semaphore, #tpu.memory_space<semaphore_mem>>) attributes {dimension_semantics = [#tpu.dimension_semantics<core_parallel>, #tpu.dimension_semantics<subcore_parallel>], iteration_bounds = array<i64: 1, 16>, scalar_prefetch = 0 : i64, scratch_operands = 13 : i64, tpu.core_type = #tpu.core_type<sc_vector_subcore>, window_params = [{transform_indices = #map}, {transform_indices = #map1}, {transform_indices = #map1}, {transform_indices = #map2}, {transform_indices = #map}]} {
    %mul3A = arith.constant 640 : i32
    %mul3A_0 = arith.muli %arg1, %mul3A : i32
    "tpu.region"() ({
      %run_scoped3A = tpu.sem_alloc : memref<!tpu.dma_semaphore, #tpu.memory_space<semaphore_mem>>
      %dma_start3A = arith.constant 0 : i32
      %dma_start3A_29 = arith.constant 0 : i32
      %dma_start3A_30 = tpu.memref_slice %arg3[%arg1, %dma_start3A, %dma_start3A_29] : memref<16x160x128xi32, #tpu.memory_space<hbm>> -> memref<1x160x128xi32, #tpu.memory_space<hbm>>
      %dma_start3A_31 = tpu.memref_squeeze %dma_start3A_30 : memref<1x160x128xi32, #tpu.memory_space<hbm>> -> memref<160x128xi32, #tpu.memory_space<hbm>>
      %dma_start3A_32 = arith.constant 0 : i32
      %dma_start3A_33 = arith.constant 0 : i32
      %dma_start3A_34 = tpu.memref_slice %arg3[%arg1, %dma_start3A_32, %dma_start3A_33] : memref<16x160x128xi32, #tpu.memory_space<hbm>> -> memref<1x160x128xi32, #tpu.memory_space<hbm>>
      %dma_start3A_35 = tpu.memref_squeeze %dma_start3A_34 : memref<1x160x128xi32, #tpu.memory_space<hbm>> -> memref<160x128xi32, #tpu.memory_space<hbm>>
      tpu.enqueue_dma source(%dma_start3A_35 : memref<160x128xi32, #tpu.memory_space<hbm>>) target(%arg9 : memref<160x128xi32, #tpu.memory_space<vmem>>) target_semaphore(%run_scoped3A : memref<!tpu.dma_semaphore, #tpu.memory_space<semaphore_mem>>)
      %dma_wait3A = arith.constant 0 : i32
      %dma_wait3A_36 = arith.constant 0 : i32
      %dma_wait3A_37 = tpu.memref_slice %arg3[%arg1, %dma_wait3A, %dma_wait3A_36] : memref<16x160x128xi32, #tpu.memory_space<hbm>> -> memref<1x160x128xi32, #tpu.memory_space<hbm>>
      %dma_wait3A_38 = tpu.memref_squeeze %dma_wait3A_37 : memref<1x160x128xi32, #tpu.memory_space<hbm>> -> memref<160x128xi32, #tpu.memory_space<hbm>>
      %dma_wait3A_39 = arith.constant 0 : i32
      %dma_wait3A_40 = arith.constant 0 : i32
      %dma_wait3A_41 = tpu.memref_slice %arg3[%arg1, %dma_wait3A_39, %dma_wait3A_40] : memref<16x160x128xi32, #tpu.memory_space<hbm>> -> memref<1x160x128xi32, #tpu.memory_space<hbm>>
      %dma_wait3A_42 = tpu.memref_squeeze %dma_wait3A_41 : memref<1x160x128xi32, #tpu.memory_space<hbm>> -> memref<160x128xi32, #tpu.memory_space<hbm>>
      tpu.wait_dma2 semaphore(%run_scoped3A : memref<!tpu.dma_semaphore, #tpu.memory_space<semaphore_mem>>) src(%dma_wait3A_42 : memref<160x128xi32, #tpu.memory_space<hbm>>) dst(%arg9 : memref<160x128xi32, #tpu.memory_space<vmem>>)
      tpu.yield
    }) : () -> ()
    "tpu.region"() ({
      %run_scoped3A = tpu.sem_alloc : memref<!tpu.dma_semaphore, #tpu.memory_space<semaphore_mem>>
      %dma_start3A = arith.constant 0 : i32
      %dma_start3A_29 = arith.constant 0 : i32
      %dma_start3A_30 = tpu.memref_slice %arg4[%arg1, %dma_start3A, %dma_start3A_29] : memref<16x158x128xi32, #tpu.memory_space<hbm>> -> memref<1x158x128xi32, #tpu.memory_space<hbm>>
      %dma_start3A_31 = tpu.memref_squeeze %dma_start3A_30 : memref<1x158x128xi32, #tpu.memory_space<hbm>> -> memref<158x128xi32, #tpu.memory_space<hbm>>
      %dma_start3A_32 = arith.constant 0 : i32
      %dma_start3A_33 = arith.constant 0 : i32
      %dma_start3A_34 = tpu.memref_slice %arg4[%arg1, %dma_start3A_32, %dma_start3A_33] : memref<16x158x128xi32, #tpu.memory_space<hbm>> -> memref<1x158x128xi32, #tpu.memory_space<hbm>>
      %dma_start3A_35 = tpu.memref_squeeze %dma_start3A_34 : memref<1x158x128xi32, #tpu.memory_space<hbm>> -> memref<158x128xi32, #tpu.memory_space<hbm>>
      tpu.enqueue_dma source(%dma_start3A_35 : memref<158x128xi32, #tpu.memory_space<hbm>>) target(%arg10 : memref<158x128xi32, #tpu.memory_space<vmem>>) target_semaphore(%run_scoped3A : memref<!tpu.dma_semaphore, #tpu.memory_space<semaphore_mem>>)
      %dma_wait3A = arith.constant 0 : i32
      %dma_wait3A_36 = arith.constant 0 : i32
      %dma_wait3A_37 = tpu.memref_slice %arg4[%arg1, %dma_wait3A, %dma_wait3A_36] : memref<16x158x128xi32, #tpu.memory_space<hbm>> -> memref<1x158x128xi32, #tpu.memory_space<hbm>>
      %dma_wait3A_38 = tpu.memref_squeeze %dma_wait3A_37 : memref<1x158x128xi32, #tpu.memory_space<hbm>> -> memref<158x128xi32, #tpu.memory_space<hbm>>
      %dma_wait3A_39 = arith.constant 0 : i32
      %dma_wait3A_40 = arith.constant 0 : i32
      %dma_wait3A_41 = tpu.memref_slice %arg4[%arg1, %dma_wait3A_39, %dma_wait3A_40] : memref<16x158x128xi32, #tpu.memory_space<hbm>> -> memref<1x158x128xi32, #tpu.memory_space<hbm>>
      %dma_wait3A_42 = tpu.memref_squeeze %dma_wait3A_41 : memref<1x158x128xi32, #tpu.memory_space<hbm>> -> memref<158x128xi32, #tpu.memory_space<hbm>>
      tpu.wait_dma2 semaphore(%run_scoped3A : memref<!tpu.dma_semaphore, #tpu.memory_space<semaphore_mem>>) src(%dma_wait3A_42 : memref<158x128xi32, #tpu.memory_space<hbm>>) dst(%arg10 : memref<158x128xi32, #tpu.memory_space<vmem>>)
      tpu.yield
    }) : () -> ()
    "tpu.region"() ({
      %run_scoped3A = tpu.sem_alloc : memref<!tpu.dma_semaphore, #tpu.memory_space<semaphore_mem>>
      tpu.enqueue_dma source(%arg5 : memref<16xf32, #tpu.memory_space<hbm>>) target(%arg17 : memref<16xf32, #tpu.memory_space<vmem>>) target_semaphore(%run_scoped3A : memref<!tpu.dma_semaphore, #tpu.memory_space<semaphore_mem>>)
      tpu.wait_dma2 semaphore(%run_scoped3A : memref<!tpu.dma_semaphore, #tpu.memory_space<semaphore_mem>>) src(%arg5 : memref<16xf32, #tpu.memory_space<hbm>>) dst(%arg17 : memref<16xf32, #tpu.memory_space<vmem>>)
      tpu.yield
    }) : () -> ()
    %parallel_loop3A = arith.constant 0 : i32
    %parallel_loop3A_1 = arith.constant 128 : i32
    %parallel_loop3A_2 = arith.constant 1 : i32
    scf.for %parallel_loop3A_29 = %parallel_loop3A to %parallel_loop3A_1 step %parallel_loop3A_2  : i32 {
      %parallel_loop3A_30 = arith.constant 1.000000e+00 : f32
      %parallel_loop3A_31 = vector.broadcast %parallel_loop3A_30 : f32 to vector<16xf32>
      %parallel_loop3A_32 = arith.index_cast %parallel_loop3A_29 : i32 to index
      %parallel_loop3A_33 = arith.constant 0 : index
      %parallel_loop3A_34 = tpu.vector_load %arg11[%parallel_loop3A_32, %parallel_loop3A_33] {strides = array<i32>} : memref<128x16xf32, #tpu.memory_space<vmem>>, vector<16xf32>,
      tpu.vector_store %arg11[%parallel_loop3A_32, %parallel_loop3A_33], %parallel_loop3A_31 {strides = array<i32>} : memref<128x16xf32, #tpu.memory_space<vmem>>, vector<16xf32>,
    } {sc.loop_unroll_factor = 8 : i64, sc.parallel_access}
    %parallel_loop3A_3 = arith.constant 0 : i32
    %parallel_loop3A_4 = arith.constant 640 : i32
    %parallel_loop3A_5 = arith.constant 1 : i32
    scf.for %parallel_loop3A_29 = %parallel_loop3A_3 to %parallel_loop3A_4 step %parallel_loop3A_5  : i32 {
      %parallel_loop3A_30 = arith.constant 0.000000e+00 : f32
      %parallel_loop3A_31 = vector.broadcast %parallel_loop3A_30 : f32 to vector<16xf32>
      %parallel_loop3A_32 = arith.index_cast %parallel_loop3A_29 : i32 to index
      %parallel_loop3A_33 = arith.constant 0 : index
      %parallel_loop3A_34 = tpu.vector_load %arg16[%parallel_loop3A_32, %parallel_loop3A_33] {strides = array<i32>} : memref<640x16xf32, #tpu.memory_space<vmem>>, vector<16xf32>,
      tpu.vector_store %arg16[%parallel_loop3A_32, %parallel_loop3A_33], %parallel_loop3A_31 {strides = array<i32>} : memref<640x16xf32, #tpu.memory_space<vmem>>, vector<16xf32>,
    } {sc.loop_unroll_factor = 8 : i64, sc.parallel_access}
    "tpu.region"() ({
      %run_scoped3A = tpu.sem_alloc : memref<!tpu.dma_semaphore, #tpu.memory_space<semaphore_mem>>
      %dma_start3A = arith.constant 0 : i32
      %dma_start3A_29 = tpu.memref_slice %arg7[%mul3A_0, %dma_start3A] : memref<10240x16xf32, #tpu.memory_space<vmem_shared>> -> memref<640x16xf32, #tpu.memory_space<vmem_shared>>
      %dma_start3A_30 = arith.constant 0 : i32
      %dma_start3A_31 = tpu.memref_slice %arg7[%mul3A_0, %dma_start3A_30] : memref<10240x16xf32, #tpu.memory_space<vmem_shared>> -> memref<640x16xf32, #tpu.memory_space<vmem_shared>>
      tpu.enqueue_dma source(%arg16 : memref<640x16xf32, #tpu.memory_space<vmem>>) target(%dma_start3A_31 : memref<640x16xf32, #tpu.memory_space<vmem_shared>>) target_semaphore(%run_scoped3A : memref<!tpu.dma_semaphore, #tpu.memory_space<semaphore_mem>>)
      %dma_wait3A = arith.constant 0 : i32
      %dma_wait3A_32 = tpu.memref_slice %arg7[%mul3A_0, %dma_wait3A] : memref<10240x16xf32, #tpu.memory_space<vmem_shared>> -> memref<640x16xf32, #tpu.memory_space<vmem_shared>>
      %dma_wait3A_33 = arith.constant 0 : i32
      %dma_wait3A_34 = tpu.memref_slice %arg7[%mul3A_0, %dma_wait3A_33] : memref<10240x16xf32, #tpu.memory_space<vmem_shared>> -> memref<640x16xf32, #tpu.memory_space<vmem_shared>>
      tpu.wait_dma2 semaphore(%run_scoped3A : memref<!tpu.dma_semaphore, #tpu.memory_space<semaphore_mem>>) src(%arg16 : memref<640x16xf32, #tpu.memory_space<vmem>>) dst(%dma_wait3A_34 : memref<640x16xf32, #tpu.memory_space<vmem_shared>>)
      tpu.yield
    }) : () -> ()
    %barrier3A = arith.constant 0 : index
    tpu.barrier barrier_id(%barrier3A)
    %scan3A = arith.constant 0 : i32
    %scan3A_6 = arith.constant 0 : i32
    %scan3A_7 = arith.constant 158 : i32
    %scan3A_8 = arith.addi %scan3A_6, %scan3A_7 : i32
    %scan3A_9 = arith.constant 1 : i32
    scf.for %scan3A_29 = %scan3A_6 to %scan3A_8 step %scan3A_9  : i32 {
      %dma_start3A = arith.constant 0 : i32
      %dma_start3A_30 = tpu.memref_slice %arg10[%scan3A_29, %dma_start3A] : memref<158x128xi32, #tpu.memory_space<vmem>> -> memref<1x128xi32, #tpu.memory_space<vmem>>
      %dma_start3A_31 = tpu.memref_squeeze %dma_start3A_30 : memref<1x128xi32, #tpu.memory_space<vmem>> -> memref<128xi32, #tpu.memory_space<vmem>>
      %dma_start3A_32 = arith.constant 0 : i32
      %dma_start3A_33 = arith.constant 0 : i32
      %dma_start3A_34 = tpu.memref_slice %arg7[%dma_start3A_32, %dma_start3A_33] : memref<10240x16xf32, #tpu.memory_space<vmem_shared>> -> memref<10240x16xf32, #tpu.memory_space<vmem_shared>>
      tpu.enqueue_indirect_dma source(%arg11 : memref<128x16xf32, #tpu.memory_space<vmem>>) target(%dma_start3A_34 : memref<10240x16xf32, #tpu.memory_space<vmem_shared>>) offsets(%dma_start3A_31 : memref<128xi32, #tpu.memory_space<vmem>>) semaphore(%arg19 : memref<!tpu.dma_semaphore, #tpu.memory_space<semaphore_mem>>) {add = true}
    }
    %scan3A_10 = arith.constant 158 : i32
    %scan3A_11 = arith.constant 0 : i32
    %scan3A_12 = arith.constant 0 : i32
    %scan3A_13 = arith.constant 158 : i32
    %scan3A_14 = arith.addi %scan3A_12, %scan3A_13 : i32
    %scan3A_15 = arith.constant 1 : i32
    scf.for %scan3A_29 = %scan3A_12 to %scan3A_14 step %scan3A_15  : i32 {
      %dma_wait3A = arith.constant 0 : i32
      %dma_wait3A_30 = arith.constant 0 : i32
      %dma_wait3A_31 = tpu.memref_slice %arg7[%dma_wait3A, %dma_wait3A_30] : memref<10240x16xf32, #tpu.memory_space<vmem_shared>> -> memref<128x16xf32, #tpu.memory_space<vmem_shared>>
      %dma_wait3A_32 = arith.constant 0 : i32
      %dma_wait3A_33 = arith.constant 0 : i32
      %dma_wait3A_34 = tpu.memref_slice %arg7[%dma_wait3A_32, %dma_wait3A_33] : memref<10240x16xf32, #tpu.memory_space<vmem_shared>> -> memref<128x16xf32, #tpu.memory_space<vmem_shared>>
      tpu.wait_dma2 semaphore(%arg19 : memref<!tpu.dma_semaphore, #tpu.memory_space<semaphore_mem>>) src(%arg11 : memref<128x16xf32, #tpu.memory_space<vmem>>) dst(%dma_wait3A_34 : memref<128x16xf32, #tpu.memory_space<vmem_shared>>)
    }
    %scan3A_16 = arith.constant 158 : i32
    %barrier3A_17 = arith.constant 0 : index
    tpu.barrier barrier_id(%barrier3A_17)
    "tpu.region"() ({
      %run_scoped3A = tpu.sem_alloc : memref<!tpu.dma_semaphore, #tpu.memory_space<semaphore_mem>>
      %dma_start3A = arith.constant 0 : i32
      %dma_start3A_29 = tpu.memref_slice %arg7[%mul3A_0, %dma_start3A] : memref<10240x16xf32, #tpu.memory_space<vmem_shared>> -> memref<640x16xf32, #tpu.memory_space<vmem_shared>>
      %dma_start3A_30 = arith.constant 0 : i32
      %dma_start3A_31 = tpu.memref_slice %arg7[%mul3A_0, %dma_start3A_30] : memref<10240x16xf32, #tpu.memory_space<vmem_shared>> -> memref<640x16xf32, #tpu.memory_space<vmem_shared>>
      tpu.enqueue_dma source(%dma_start3A_31 : memref<640x16xf32, #tpu.memory_space<vmem_shared>>) target(%arg16 : memref<640x16xf32, #tpu.memory_space<vmem>>) target_semaphore(%run_scoped3A : memref<!tpu.dma_semaphore, #tpu.memory_space<semaphore_mem>>)
      %dma_wait3A = arith.constant 0 : i32
      %dma_wait3A_32 = tpu.memref_slice %arg7[%mul3A_0, %dma_wait3A] : memref<10240x16xf32, #tpu.memory_space<vmem_shared>> -> memref<640x16xf32, #tpu.memory_space<vmem_shared>>
      %dma_wait3A_33 = arith.constant 0 : i32
      %dma_wait3A_34 = tpu.memref_slice %arg7[%mul3A_0, %dma_wait3A_33] : memref<10240x16xf32, #tpu.memory_space<vmem_shared>> -> memref<640x16xf32, #tpu.memory_space<vmem_shared>>
      tpu.wait_dma2 semaphore(%run_scoped3A : memref<!tpu.dma_semaphore, #tpu.memory_space<semaphore_mem>>) src(%dma_wait3A_34 : memref<640x16xf32, #tpu.memory_space<vmem_shared>>) dst(%arg16 : memref<640x16xf32, #tpu.memory_space<vmem>>)
      tpu.yield
    }) : () -> ()
    "tpu.region"() ({
      %run_scoped3A = tpu.sem_alloc : memref<!tpu.dma_semaphore, #tpu.memory_space<semaphore_mem>>
      %dma_start3A = arith.constant 0 : i32
      %dma_start3A_29 = tpu.memref_slice %arg2[%mul3A_0, %dma_start3A] : memref<10240x16xf32, #tpu.memory_space<hbm>> -> memref<640x16xf32, #tpu.memory_space<hbm>>
      %dma_start3A_30 = arith.constant 0 : i32
      %dma_start3A_31 = tpu.memref_slice %arg2[%mul3A_0, %dma_start3A_30] : memref<10240x16xf32, #tpu.memory_space<hbm>> -> memref<640x16xf32, #tpu.memory_space<hbm>>
      tpu.enqueue_dma source(%dma_start3A_31 : memref<640x16xf32, #tpu.memory_space<hbm>>) target(%arg13 : memref<640x16xf32, #tpu.memory_space<vmem>>) target_semaphore(%run_scoped3A : memref<!tpu.dma_semaphore, #tpu.memory_space<semaphore_mem>>)
      %dma_wait3A = arith.constant 0 : i32
      %dma_wait3A_32 = tpu.memref_slice %arg2[%mul3A_0, %dma_wait3A] : memref<10240x16xf32, #tpu.memory_space<hbm>> -> memref<640x16xf32, #tpu.memory_space<hbm>>
      %dma_wait3A_33 = arith.constant 0 : i32
      %dma_wait3A_34 = tpu.memref_slice %arg2[%mul3A_0, %dma_wait3A_33] : memref<10240x16xf32, #tpu.memory_space<hbm>> -> memref<640x16xf32, #tpu.memory_space<hbm>>
      tpu.wait_dma2 semaphore(%run_scoped3A : memref<!tpu.dma_semaphore, #tpu.memory_space<semaphore_mem>>) src(%dma_wait3A_34 : memref<640x16xf32, #tpu.memory_space<hbm>>) dst(%arg13 : memref<640x16xf32, #tpu.memory_space<vmem>>)
      tpu.yield
    }) : () -> ()
    %get3A = arith.constant 0 : index
    %get3A_18 = tpu.vector_load %arg17[%get3A] {strides = array<i32>} : memref<16xf32, #tpu.memory_space<vmem>>, vector<16xf32>,
    %parallel_loop3A_19 = arith.constant 0 : i32
    %parallel_loop3A_20 = arith.constant 640 : i32
    %parallel_loop3A_21 = arith.constant 1 : i32
    scf.for %parallel_loop3A_29 = %parallel_loop3A_19 to %parallel_loop3A_20 step %parallel_loop3A_21  : i32 {
      %parallel_loop3A_30 = arith.index_cast %parallel_loop3A_29 : i32 to index
      %parallel_loop3A_31 = arith.constant 0 : index
      %parallel_loop3A_32 = tpu.vector_load %arg16[%parallel_loop3A_30, %parallel_loop3A_31] {strides = array<i32>} : memref<640x16xf32, #tpu.memory_space<vmem>>, vector<16xf32>,
      %parallel_loop3A_33 = arith.constant 1.000000e+00 : f32
      %parallel_loop3A_34 = vector.broadcast %parallel_loop3A_33 : f32 to vector<16xf32>
      %parallel_loop3A_35 = arith.addf %parallel_loop3A_32, %parallel_loop3A_34 : vector<16xf32>
      %parallel_loop3A_36 = vector.bitcast %parallel_loop3A_35 : vector<16xf32> to vector<16xi32>
      %parallel_loop3A_37 = arith.constant 1 : i32
      %parallel_loop3A_38 = vector.broadcast %parallel_loop3A_37 : i32 to vector<16xi32>
      %parallel_loop3A_39 = arith.shrui %parallel_loop3A_36, %parallel_loop3A_38 : vector<16xi32>
      %parallel_loop3A_40 = arith.constant 1597463007 : i32
      %parallel_loop3A_41 = vector.broadcast %parallel_loop3A_40 : i32 to vector<16xi32>
      %parallel_loop3A_42 = arith.subi %parallel_loop3A_41, %parallel_loop3A_39 : vector<16xi32>
      %parallel_loop3A_43 = vector.bitcast %parallel_loop3A_42 : vector<16xi32> to vector<16xf32>
      %parallel_loop3A_44 = arith.constant 5.000000e-01 : f32
      %parallel_loop3A_45 = vector.broadcast %parallel_loop3A_44 : f32 to vector<16xf32>
      %parallel_loop3A_46 = arith.mulf %parallel_loop3A_45, %parallel_loop3A_35 : vector<16xf32>
      %parallel_loop3A_47 = arith.mulf %parallel_loop3A_46, %parallel_loop3A_43 : vector<16xf32>
      %parallel_loop3A_48 = arith.mulf %parallel_loop3A_47, %parallel_loop3A_43 : vector<16xf32>
      %parallel_loop3A_49 = arith.constant 1.500000e+00 : f32
      %parallel_loop3A_50 = vector.broadcast %parallel_loop3A_49 : f32 to vector<16xf32>
      %parallel_loop3A_51 = arith.subf %parallel_loop3A_50, %parallel_loop3A_48 : vector<16xf32>
      %parallel_loop3A_52 = arith.mulf %parallel_loop3A_43, %parallel_loop3A_51 : vector<16xf32>
      %parallel_loop3A_53 = arith.constant 5.000000e-01 : f32
      %parallel_loop3A_54 = vector.broadcast %parallel_loop3A_53 : f32 to vector<16xf32>
      %parallel_loop3A_55 = arith.mulf %parallel_loop3A_54, %parallel_loop3A_35 : vector<16xf32>
      %parallel_loop3A_56 = arith.mulf %parallel_loop3A_55, %parallel_loop3A_52 : vector<16xf32>
      %parallel_loop3A_57 = arith.mulf %parallel_loop3A_56, %parallel_loop3A_52 : vector<16xf32>
      %parallel_loop3A_58 = arith.constant 1.500000e+00 : f32
      %parallel_loop3A_59 = vector.broadcast %parallel_loop3A_58 : f32 to vector<16xf32>
      %parallel_loop3A_60 = arith.subf %parallel_loop3A_59, %parallel_loop3A_57 : vector<16xf32>
      %parallel_loop3A_61 = arith.mulf %parallel_loop3A_52, %parallel_loop3A_60 : vector<16xf32>
      %parallel_loop3A_62 = arith.constant 5.000000e-01 : f32
      %parallel_loop3A_63 = vector.broadcast %parallel_loop3A_62 : f32 to vector<16xf32>
      %parallel_loop3A_64 = arith.mulf %parallel_loop3A_63, %parallel_loop3A_35 : vector<16xf32>
      %parallel_loop3A_65 = arith.mulf %parallel_loop3A_64, %parallel_loop3A_61 : vector<16xf32>
      %parallel_loop3A_66 = arith.mulf %parallel_loop3A_65, %parallel_loop3A_61 : vector<16xf32>
      %parallel_loop3A_67 = arith.constant 1.500000e+00 : f32
      %parallel_loop3A_68 = vector.broadcast %parallel_loop3A_67 : f32 to vector<16xf32>
      %parallel_loop3A_69 = arith.subf %parallel_loop3A_68, %parallel_loop3A_66 : vector<16xf32>
      %parallel_loop3A_70 = arith.mulf %parallel_loop3A_61, %parallel_loop3A_69 : vector<16xf32>
      %parallel_loop3A_71 = arith.index_cast %parallel_loop3A_29 : i32 to index
      %parallel_loop3A_72 = arith.constant 0 : index
      %parallel_loop3A_73 = tpu.vector_load %arg15[%parallel_loop3A_71, %parallel_loop3A_72] {strides = array<i32>} : memref<640x16xf32, #tpu.memory_space<vmem>>, vector<16xf32>,
      tpu.vector_store %arg15[%parallel_loop3A_71, %parallel_loop3A_72], %parallel_loop3A_70 {strides = array<i32>} : memref<640x16xf32, #tpu.memory_space<vmem>>, vector<16xf32>,
      %parallel_loop3A_74 = arith.index_cast %parallel_loop3A_29 : i32 to index
      %parallel_loop3A_75 = arith.constant 0 : index
      %parallel_loop3A_76 = tpu.vector_load %arg13[%parallel_loop3A_74, %parallel_loop3A_75] {strides = array<i32>} : memref<640x16xf32, #tpu.memory_space<vmem>>, vector<16xf32>,
      %parallel_loop3A_77 = arith.mulf %parallel_loop3A_70, %parallel_loop3A_76 : vector<16xf32>
      %parallel_loop3A_78 = arith.index_cast %parallel_loop3A_29 : i32 to index
      %parallel_loop3A_79 = arith.constant 0 : index
      %parallel_loop3A_80 = tpu.vector_load %arg13[%parallel_loop3A_78, %parallel_loop3A_79] {strides = array<i32>} : memref<640x16xf32, #tpu.memory_space<vmem>>, vector<16xf32>,
      tpu.vector_store %arg13[%parallel_loop3A_78, %parallel_loop3A_79], %parallel_loop3A_77 {strides = array<i32>} : memref<640x16xf32, #tpu.memory_space<vmem>>, vector<16xf32>,
      %parallel_loop3A_81 = arith.index_cast %parallel_loop3A_29 : i32 to index
      %parallel_loop3A_82 = arith.constant 0 : index
      %parallel_loop3A_83 = tpu.vector_load %arg14[%parallel_loop3A_81, %parallel_loop3A_82] {strides = array<i32>} : memref<640x16xf32, #tpu.memory_space<vmem>>, vector<16xf32>,
      tpu.vector_store %arg14[%parallel_loop3A_81, %parallel_loop3A_82], %get3A_18 {strides = array<i32>} : memref<640x16xf32, #tpu.memory_space<vmem>>, vector<16xf32>,
      %parallel_loop3A_84 = arith.constant 0.000000e+00 : f32
      %parallel_loop3A_85 = vector.broadcast %parallel_loop3A_84 : f32 to vector<16xf32>
      %parallel_loop3A_86 = arith.index_cast %parallel_loop3A_29 : i32 to index
      %parallel_loop3A_87 = arith.constant 0 : index
      %parallel_loop3A_88 = tpu.vector_load %arg16[%parallel_loop3A_86, %parallel_loop3A_87] {strides = array<i32>} : memref<640x16xf32, #tpu.memory_space<vmem>>, vector<16xf32>,
      tpu.vector_store %arg16[%parallel_loop3A_86, %parallel_loop3A_87], %parallel_loop3A_85 {strides = array<i32>} : memref<640x16xf32, #tpu.memory_space<vmem>>, vector<16xf32>,
    } {sc.loop_unroll_factor = 8 : i64, sc.parallel_access}
    "tpu.region"() ({
      %run_scoped3A = tpu.sem_alloc : memref<!tpu.dma_semaphore, #tpu.memory_space<semaphore_mem>>
      %dma_start3A = arith.constant 0 : i32
      %dma_start3A_29 = tpu.memref_slice %arg8[%mul3A_0, %dma_start3A] : memref<10240x16xf32, #tpu.memory_space<vmem_shared>> -> memref<640x16xf32, #tpu.memory_space<vmem_shared>>
      %dma_start3A_30 = arith.constant 0 : i32
      %dma_start3A_31 = tpu.memref_slice %arg8[%mul3A_0, %dma_start3A_30] : memref<10240x16xf32, #tpu.memory_space<vmem_shared>> -> memref<640x16xf32, #tpu.memory_space<vmem_shared>>
      tpu.enqueue_dma source(%arg13 : memref<640x16xf32, #tpu.memory_space<vmem>>) target(%dma_start3A_31 : memref<640x16xf32, #tpu.memory_space<vmem_shared>>) target_semaphore(%run_scoped3A : memref<!tpu.dma_semaphore, #tpu.memory_space<semaphore_mem>>)
      %dma_wait3A = arith.constant 0 : i32
      %dma_wait3A_32 = tpu.memref_slice %arg8[%mul3A_0, %dma_wait3A] : memref<10240x16xf32, #tpu.memory_space<vmem_shared>> -> memref<640x16xf32, #tpu.memory_space<vmem_shared>>
      %dma_wait3A_33 = arith.constant 0 : i32
      %dma_wait3A_34 = tpu.memref_slice %arg8[%mul3A_0, %dma_wait3A_33] : memref<10240x16xf32, #tpu.memory_space<vmem_shared>> -> memref<640x16xf32, #tpu.memory_space<vmem_shared>>
      tpu.wait_dma2 semaphore(%run_scoped3A : memref<!tpu.dma_semaphore, #tpu.memory_space<semaphore_mem>>) src(%arg13 : memref<640x16xf32, #tpu.memory_space<vmem>>) dst(%dma_wait3A_34 : memref<640x16xf32, #tpu.memory_space<vmem_shared>>)
      tpu.yield
    }) : () -> ()
    "tpu.region"() ({
      %run_scoped3A = tpu.sem_alloc : memref<!tpu.dma_semaphore, #tpu.memory_space<semaphore_mem>>
      %dma_start3A = arith.constant 0 : i32
      %dma_start3A_29 = tpu.memref_slice %arg7[%mul3A_0, %dma_start3A] : memref<10240x16xf32, #tpu.memory_space<vmem_shared>> -> memref<640x16xf32, #tpu.memory_space<vmem_shared>>
      %dma_start3A_30 = arith.constant 0 : i32
      %dma_start3A_31 = tpu.memref_slice %arg7[%mul3A_0, %dma_start3A_30] : memref<10240x16xf32, #tpu.memory_space<vmem_shared>> -> memref<640x16xf32, #tpu.memory_space<vmem_shared>>
      tpu.enqueue_dma source(%arg16 : memref<640x16xf32, #tpu.memory_space<vmem>>) target(%dma_start3A_31 : memref<640x16xf32, #tpu.memory_space<vmem_shared>>) target_semaphore(%run_scoped3A : memref<!tpu.dma_semaphore, #tpu.memory_space<semaphore_mem>>)
      %dma_wait3A = arith.constant 0 : i32
      %dma_wait3A_32 = tpu.memref_slice %arg7[%mul3A_0, %dma_wait3A] : memref<10240x16xf32, #tpu.memory_space<vmem_shared>> -> memref<640x16xf32, #tpu.memory_space<vmem_shared>>
      %dma_wait3A_33 = arith.constant 0 : i32
      %dma_wait3A_34 = tpu.memref_slice %arg7[%mul3A_0, %dma_wait3A_33] : memref<10240x16xf32, #tpu.memory_space<vmem_shared>> -> memref<640x16xf32, #tpu.memory_space<vmem_shared>>
      tpu.wait_dma2 semaphore(%run_scoped3A : memref<!tpu.dma_semaphore, #tpu.memory_space<semaphore_mem>>) src(%arg16 : memref<640x16xf32, #tpu.memory_space<vmem>>) dst(%dma_wait3A_34 : memref<640x16xf32, #tpu.memory_space<vmem_shared>>)
      tpu.yield
    }) : () -> ()
    %barrier3A_22 = arith.constant 0 : index
    tpu.barrier barrier_id(%barrier3A_22)
    %scan3A_23 = arith.constant 0 : i32
    %scan3A_24 = arith.constant 0 : i32
    %scan3A_25 = arith.constant 8 : i32
    %scan3A_26 = arith.addi %scan3A_24, %scan3A_25 : i32
    %scan3A_27 = arith.constant 1 : i32
    scf.for %scan3A_29 = %scan3A_24 to %scan3A_26 step %scan3A_27  : i32 {
      %dma_start3A = arith.constant 0 : i32
      %dma_start3A_30 = arith.constant 0 : i32
      %dma_start3A_31 = tpu.memref_slice %arg9[%dma_start3A, %dma_start3A_30] : memref<160x128xi32, #tpu.memory_space<vmem>> -> memref<1x128xi32, #tpu.memory_space<vmem>>
      %dma_start3A_32 = tpu.memref_squeeze %dma_start3A_31 : memref<1x128xi32, #tpu.memory_space<vmem>> -> memref<128xi32, #tpu.memory_space<vmem>>
      %dma_start3A_33 = arith.constant 0 : i32
      %dma_start3A_34 = arith.constant 0 : i32
      %dma_start3A_35 = tpu.memref_slice %arg8[%dma_start3A_33, %dma_start3A_34] : memref<10240x16xf32, #tpu.memory_space<vmem_shared>> -> memref<10240x16xf32, #tpu.memory_space<vmem_shared>>
      tpu.enqueue_indirect_dma source(%dma_start3A_35 : memref<10240x16xf32, #tpu.memory_space<vmem_shared>>) target(%arg11 : memref<128x16xf32, #tpu.memory_space<vmem>>) offsets(%dma_start3A_32 : memref<128xi32, #tpu.memory_space<vmem>>) semaphore(%arg18 : memref<!tpu.dma_semaphore, #tpu.memory_space<semaphore_mem>>)
      %dma_start3A_36 = arith.constant 1 : i32
      %dma_start3A_37 = arith.constant 0 : i32
      %dma_start3A_38 = tpu.memref_slice %arg9[%dma_start3A_36, %dma_start3A_37] : memref<160x128xi32, #tpu.memory_space<vmem>> -> memref<1x128xi32, #tpu.memory_space<vmem>>
      %dma_start3A_39 = tpu.memref_squeeze %dma_start3A_38 : memref<1x128xi32, #tpu.memory_space<vmem>> -> memref<128xi32, #tpu.memory_space<vmem>>
      %dma_start3A_40 = arith.constant 0 : i32
      %dma_start3A_41 = arith.constant 0 : i32
      %dma_start3A_42 = tpu.memref_slice %arg8[%dma_start3A_40, %dma_start3A_41] : memref<10240x16xf32, #tpu.memory_space<vmem_shared>> -> memref<10240x16xf32, #tpu.memory_space<vmem_shared>>
      tpu.enqueue_indirect_dma source(%dma_start3A_42 : memref<10240x16xf32, #tpu.memory_space<vmem_shared>>) target(%arg12 : memref<128x16xf32, #tpu.memory_space<vmem>>) offsets(%dma_start3A_39 : memref<128xi32, #tpu.memory_space<vmem>>) semaphore(%arg19 : memref<!tpu.dma_semaphore, #tpu.memory_space<semaphore_mem>>)
      %scan3A_43 = arith.constant 0 : i32
      %scan3A_44 = arith.constant 0 : i32
      %scan3A_45 = arith.constant 79 : i32
      %scan3A_46 = arith.addi %scan3A_44, %scan3A_45 : i32
      %scan3A_47 = arith.constant 1 : i32
      scf.for %scan3A_65 = %scan3A_44 to %scan3A_46 step %scan3A_47  : i32 {
        %mul3A_66 = arith.constant 2 : i32
        %mul3A_67 = arith.muli %mul3A_66, %scan3A_65 : i32
        %dma_wait3A_68 = arith.constant 0 : i32
        %dma_wait3A_69 = arith.constant 0 : i32
        %dma_wait3A_70 = tpu.memref_slice %arg8[%dma_wait3A_68, %dma_wait3A_69] : memref<10240x16xf32, #tpu.memory_space<vmem_shared>> -> memref<128x16xf32, #tpu.memory_space<vmem_shared>>
        %dma_wait3A_71 = arith.constant 0 : i32
        %dma_wait3A_72 = arith.constant 0 : i32
        %dma_wait3A_73 = tpu.memref_slice %arg8[%dma_wait3A_71, %dma_wait3A_72] : memref<10240x16xf32, #tpu.memory_space<vmem_shared>> -> memref<128x16xf32, #tpu.memory_space<vmem_shared>>
        tpu.wait_dma2 semaphore(%arg18 : memref<!tpu.dma_semaphore, #tpu.memory_space<semaphore_mem>>) src(%dma_wait3A_73 : memref<128x16xf32, #tpu.memory_space<vmem_shared>>) dst(%arg11 : memref<128x16xf32, #tpu.memory_space<vmem>>)
        "tpu.region"() ({
          %run_scoped3A = tpu.sem_alloc : memref<!tpu.dma_semaphore, #tpu.memory_space<semaphore_mem>>
          %dma_start3A_97 = arith.constant 0 : i32
          %dma_start3A_98 = tpu.memref_slice %arg10[%mul3A_67, %dma_start3A_97] : memref<158x128xi32, #tpu.memory_space<vmem>> -> memref<1x128xi32, #tpu.memory_space<vmem>>
          %dma_start3A_99 = tpu.memref_squeeze %dma_start3A_98 : memref<1x128xi32, #tpu.memory_space<vmem>> -> memref<128xi32, #tpu.memory_space<vmem>>
          %dma_start3A_100 = arith.constant 0 : i32
          %dma_start3A_101 = arith.constant 0 : i32
          %dma_start3A_102 = tpu.memref_slice %arg7[%dma_start3A_100, %dma_start3A_101] : memref<10240x16xf32, #tpu.memory_space<vmem_shared>> -> memref<10240x16xf32, #tpu.memory_space<vmem_shared>>
          tpu.enqueue_indirect_dma source(%arg11 : memref<128x16xf32, #tpu.memory_space<vmem>>) target(%dma_start3A_102 : memref<10240x16xf32, #tpu.memory_space<vmem_shared>>) offsets(%dma_start3A_99 : memref<128xi32, #tpu.memory_space<vmem>>) semaphore(%run_scoped3A : memref<!tpu.dma_semaphore, #tpu.memory_space<semaphore_mem>>) {add = true}
          %dma_wait3A_103 = arith.constant 0 : i32
          %dma_wait3A_104 = tpu.memref_slice %arg10[%mul3A_67, %dma_wait3A_103] : memref<158x128xi32, #tpu.memory_space<vmem>> -> memref<1x128xi32, #tpu.memory_space<vmem>>
          %dma_wait3A_105 = tpu.memref_squeeze %dma_wait3A_104 : memref<1x128xi32, #tpu.memory_space<vmem>> -> memref<128xi32, #tpu.memory_space<vmem>>
          %dma_wait3A_106 = arith.constant 0 : i32
          %dma_wait3A_107 = arith.constant 0 : i32
          %dma_wait3A_108 = tpu.memref_slice %arg7[%dma_wait3A_106, %dma_wait3A_107] : memref<10240x16xf32, #tpu.memory_space<vmem_shared>> -> memref<10240x16xf32, #tpu.memory_space<vmem_shared>>
          tpu.wait_indirect_dma semaphore(%run_scoped3A : memref<!tpu.dma_semaphore, #tpu.memory_space<semaphore_mem>>) src(%arg11 : memref<128x16xf32, #tpu.memory_space<vmem>>) dst(%dma_wait3A_108 : memref<10240x16xf32, #tpu.memory_space<vmem_shared>>)
          tpu.yield
        }) : () -> ()
        %add3A = arith.constant 2 : i32
        %add3A_74 = arith.addi %mul3A_67, %add3A : i32
        %dma_start3A_75 = arith.constant 0 : i32
        %dma_start3A_76 = tpu.memref_slice %arg9[%add3A_74, %dma_start3A_75] : memref<160x128xi32, #tpu.memory_space<vmem>> -> memref<1x128xi32, #tpu.memory_space<vmem>>
        %dma_start3A_77 = tpu.memref_squeeze %dma_start3A_76 : memref<1x128xi32, #tpu.memory_space<vmem>> -> memref<128xi32, #tpu.memory_space<vmem>>
        %dma_start3A_78 = arith.constant 0 : i32
        %dma_start3A_79 = arith.constant 0 : i32
        %dma_start3A_80 = tpu.memref_slice %arg8[%dma_start3A_78, %dma_start3A_79] : memref<10240x16xf32, #tpu.memory_space<vmem_shared>> -> memref<10240x16xf32, #tpu.memory_space<vmem_shared>>
        tpu.enqueue_indirect_dma source(%dma_start3A_80 : memref<10240x16xf32, #tpu.memory_space<vmem_shared>>) target(%arg11 : memref<128x16xf32, #tpu.memory_space<vmem>>) offsets(%dma_start3A_77 : memref<128xi32, #tpu.memory_space<vmem>>) semaphore(%arg18 : memref<!tpu.dma_semaphore, #tpu.memory_space<semaphore_mem>>)
        %dma_wait3A_81 = arith.constant 0 : i32
        %dma_wait3A_82 = arith.constant 0 : i32
        %dma_wait3A_83 = tpu.memref_slice %arg8[%dma_wait3A_81, %dma_wait3A_82] : memref<10240x16xf32, #tpu.memory_space<vmem_shared>> -> memref<128x16xf32, #tpu.memory_space<vmem_shared>>
        %dma_wait3A_84 = arith.constant 0 : i32
        %dma_wait3A_85 = arith.constant 0 : i32
        %dma_wait3A_86 = tpu.memref_slice %arg8[%dma_wait3A_84, %dma_wait3A_85] : memref<10240x16xf32, #tpu.memory_space<vmem_shared>> -> memref<128x16xf32, #tpu.memory_space<vmem_shared>>
        tpu.wait_dma2 semaphore(%arg19 : memref<!tpu.dma_semaphore, #tpu.memory_space<semaphore_mem>>) src(%dma_wait3A_86 : memref<128x16xf32, #tpu.memory_space<vmem_shared>>) dst(%arg12 : memref<128x16xf32, #tpu.memory_space<vmem>>)
        %add3A_87 = arith.constant 1 : i32
        %add3A_88 = arith.addi %mul3A_67, %add3A_87 : i32
        "tpu.region"() ({
          %run_scoped3A = tpu.sem_alloc : memref<!tpu.dma_semaphore, #tpu.memory_space<semaphore_mem>>
          %dma_start3A_97 = arith.constant 0 : i32
          %dma_start3A_98 = tpu.memref_slice %arg10[%add3A_88, %dma_start3A_97] : memref<158x128xi32, #tpu.memory_space<vmem>> -> memref<1x128xi32, #tpu.memory_space<vmem>>
          %dma_start3A_99 = tpu.memref_squeeze %dma_start3A_98 : memref<1x128xi32, #tpu.memory_space<vmem>> -> memref<128xi32, #tpu.memory_space<vmem>>
          %dma_start3A_100 = arith.constant 0 : i32
          %dma_start3A_101 = arith.constant 0 : i32
          %dma_start3A_102 = tpu.memref_slice %arg7[%dma_start3A_100, %dma_start3A_101] : memref<10240x16xf32, #tpu.memory_space<vmem_shared>> -> memref<10240x16xf32, #tpu.memory_space<vmem_shared>>
          tpu.enqueue_indirect_dma source(%arg12 : memref<128x16xf32, #tpu.memory_space<vmem>>) target(%dma_start3A_102 : memref<10240x16xf32, #tpu.memory_space<vmem_shared>>) offsets(%dma_start3A_99 : memref<128xi32, #tpu.memory_space<vmem>>) semaphore(%run_scoped3A : memref<!tpu.dma_semaphore, #tpu.memory_space<semaphore_mem>>) {add = true}
          %dma_wait3A_103 = arith.constant 0 : i32
          %dma_wait3A_104 = tpu.memref_slice %arg10[%add3A_88, %dma_wait3A_103] : memref<158x128xi32, #tpu.memory_space<vmem>> -> memref<1x128xi32, #tpu.memory_space<vmem>>
          %dma_wait3A_105 = tpu.memref_squeeze %dma_wait3A_104 : memref<1x128xi32, #tpu.memory_space<vmem>> -> memref<128xi32, #tpu.memory_space<vmem>>
          %dma_wait3A_106 = arith.constant 0 : i32
          %dma_wait3A_107 = arith.constant 0 : i32
          %dma_wait3A_108 = tpu.memref_slice %arg7[%dma_wait3A_106, %dma_wait3A_107] : memref<10240x16xf32, #tpu.memory_space<vmem_shared>> -> memref<10240x16xf32, #tpu.memory_space<vmem_shared>>
          tpu.wait_indirect_dma semaphore(%run_scoped3A : memref<!tpu.dma_semaphore, #tpu.memory_space<semaphore_mem>>) src(%arg12 : memref<128x16xf32, #tpu.memory_space<vmem>>) dst(%dma_wait3A_108 : memref<10240x16xf32, #tpu.memory_space<vmem_shared>>)
          tpu.yield
        }) : () -> ()
        %add3A_89 = arith.constant 3 : i32
        %add3A_90 = arith.addi %mul3A_67, %add3A_89 : i32
        %dma_start3A_91 = arith.constant 0 : i32
        %dma_start3A_92 = tpu.memref_slice %arg9[%add3A_90, %dma_start3A_91] : memref<160x128xi32, #tpu.memory_space<vmem>> -> memref<1x128xi32, #tpu.memory_space<vmem>>
        %dma_start3A_93 = tpu.memref_squeeze %dma_start3A_92 : memref<1x128xi32, #tpu.memory_space<vmem>> -> memref<128xi32, #tpu.memory_space<vmem>>
        %dma_start3A_94 = arith.constant 0 : i32
        %dma_start3A_95 = arith.constant 0 : i32
        %dma_start3A_96 = tpu.memref_slice %arg8[%dma_start3A_94, %dma_start3A_95] : memref<10240x16xf32, #tpu.memory_space<vmem_shared>> -> memref<10240x16xf32, #tpu.memory_space<vmem_shared>>
        tpu.enqueue_indirect_dma source(%dma_start3A_96 : memref<10240x16xf32, #tpu.memory_space<vmem_shared>>) target(%arg12 : memref<128x16xf32, #tpu.memory_space<vmem>>) offsets(%dma_start3A_93 : memref<128xi32, #tpu.memory_space<vmem>>) semaphore(%arg19 : memref<!tpu.dma_semaphore, #tpu.memory_space<semaphore_mem>>)
      }
      %scan3A_48 = arith.constant 79 : i32
      %dma_wait3A = arith.constant 0 : i32
      %dma_wait3A_49 = arith.constant 0 : i32
      %dma_wait3A_50 = tpu.memref_slice %arg8[%dma_wait3A, %dma_wait3A_49] : memref<10240x16xf32, #tpu.memory_space<vmem_shared>> -> memref<128x16xf32, #tpu.memory_space<vmem_shared>>
      %dma_wait3A_51 = arith.constant 0 : i32
      %dma_wait3A_52 = arith.constant 0 : i32
      %dma_wait3A_53 = tpu.memref_slice %arg8[%dma_wait3A_51, %dma_wait3A_52] : memref<10240x16xf32, #tpu.memory_space<vmem_shared>> -> memref<128x16xf32, #tpu.memory_space<vmem_shared>>
      tpu.wait_dma2 semaphore(%arg18 : memref<!tpu.dma_semaphore, #tpu.memory_space<semaphore_mem>>) src(%dma_wait3A_53 : memref<128x16xf32, #tpu.memory_space<vmem_shared>>) dst(%arg11 : memref<128x16xf32, #tpu.memory_space<vmem>>)
      %dma_wait3A_54 = arith.constant 0 : i32
      %dma_wait3A_55 = arith.constant 0 : i32
      %dma_wait3A_56 = tpu.memref_slice %arg8[%dma_wait3A_54, %dma_wait3A_55] : memref<10240x16xf32, #tpu.memory_space<vmem_shared>> -> memref<128x16xf32, #tpu.memory_space<vmem_shared>>
      %dma_wait3A_57 = arith.constant 0 : i32
      %dma_wait3A_58 = arith.constant 0 : i32
      %dma_wait3A_59 = tpu.memref_slice %arg8[%dma_wait3A_57, %dma_wait3A_58] : memref<10240x16xf32, #tpu.memory_space<vmem_shared>> -> memref<128x16xf32, #tpu.memory_space<vmem_shared>>
      tpu.wait_dma2 semaphore(%arg19 : memref<!tpu.dma_semaphore, #tpu.memory_space<semaphore_mem>>) src(%dma_wait3A_59 : memref<128x16xf32, #tpu.memory_space<vmem_shared>>) dst(%arg12 : memref<128x16xf32, #tpu.memory_space<vmem>>)
      %barrier3A_60 = arith.constant 0 : index
      tpu.barrier barrier_id(%barrier3A_60)
      "tpu.region"() ({
        %run_scoped3A = tpu.sem_alloc : memref<!tpu.dma_semaphore, #tpu.memory_space<semaphore_mem>>
        %dma_start3A_65 = arith.constant 0 : i32
        %dma_start3A_66 = tpu.memref_slice %arg7[%mul3A_0, %dma_start3A_65] : memref<10240x16xf32, #tpu.memory_space<vmem_shared>> -> memref<640x16xf32, #tpu.memory_space<vmem_shared>>
        %dma_start3A_67 = arith.constant 0 : i32
        %dma_start3A_68 = tpu.memref_slice %arg7[%mul3A_0, %dma_start3A_67] : memref<10240x16xf32, #tpu.memory_space<vmem_shared>> -> memref<640x16xf32, #tpu.memory_space<vmem_shared>>
        tpu.enqueue_dma source(%dma_start3A_68 : memref<640x16xf32, #tpu.memory_space<vmem_shared>>) target(%arg16 : memref<640x16xf32, #tpu.memory_space<vmem>>) target_semaphore(%run_scoped3A : memref<!tpu.dma_semaphore, #tpu.memory_space<semaphore_mem>>)
        %dma_wait3A_69 = arith.constant 0 : i32
        %dma_wait3A_70 = tpu.memref_slice %arg7[%mul3A_0, %dma_wait3A_69] : memref<10240x16xf32, #tpu.memory_space<vmem_shared>> -> memref<640x16xf32, #tpu.memory_space<vmem_shared>>
        %dma_wait3A_71 = arith.constant 0 : i32
        %dma_wait3A_72 = tpu.memref_slice %arg7[%mul3A_0, %dma_wait3A_71] : memref<10240x16xf32, #tpu.memory_space<vmem_shared>> -> memref<640x16xf32, #tpu.memory_space<vmem_shared>>
        tpu.wait_dma2 semaphore(%run_scoped3A : memref<!tpu.dma_semaphore, #tpu.memory_space<semaphore_mem>>) src(%dma_wait3A_72 : memref<640x16xf32, #tpu.memory_space<vmem_shared>>) dst(%arg16 : memref<640x16xf32, #tpu.memory_space<vmem>>)
        tpu.yield
      }) : () -> ()
      %parallel_loop3A_61 = arith.constant 0 : i32
      %parallel_loop3A_62 = arith.constant 640 : i32
      %parallel_loop3A_63 = arith.constant 1 : i32
      scf.for %parallel_loop3A_65 = %parallel_loop3A_61 to %parallel_loop3A_62 step %parallel_loop3A_63  : i32 {
        %parallel_loop3A_66 = arith.index_cast %parallel_loop3A_65 : i32 to index
        %parallel_loop3A_67 = arith.constant 0 : index
        %parallel_loop3A_68 = tpu.vector_load %arg15[%parallel_loop3A_66, %parallel_loop3A_67] {strides = array<i32>} : memref<640x16xf32, #tpu.memory_space<vmem>>, vector<16xf32>,
        %parallel_loop3A_69 = arith.index_cast %parallel_loop3A_65 : i32 to index
        %parallel_loop3A_70 = arith.constant 0 : index
        %parallel_loop3A_71 = tpu.vector_load %arg16[%parallel_loop3A_69, %parallel_loop3A_70] {strides = array<i32>} : memref<640x16xf32, #tpu.memory_space<vmem>>, vector<16xf32>,
        %parallel_loop3A_72 = arith.index_cast %parallel_loop3A_65 : i32 to index
        %parallel_loop3A_73 = arith.constant 0 : index
        %parallel_loop3A_74 = tpu.vector_load %arg13[%parallel_loop3A_72, %parallel_loop3A_73] {strides = array<i32>} : memref<640x16xf32, #tpu.memory_space<vmem>>, vector<16xf32>,
        %parallel_loop3A_75 = arith.addf %parallel_loop3A_71, %parallel_loop3A_74 : vector<16xf32>
        %parallel_loop3A_76 = arith.mulf %parallel_loop3A_68, %parallel_loop3A_75 : vector<16xf32>
        %parallel_loop3A_77 = arith.index_cast %parallel_loop3A_65 : i32 to index
        %parallel_loop3A_78 = arith.constant 0 : index
        %parallel_loop3A_79 = tpu.vector_load %arg14[%parallel_loop3A_77, %parallel_loop3A_78] {strides = array<i32>} : memref<640x16xf32, #tpu.memory_space<vmem>>, vector<16xf32>,
        %parallel_loop3A_80 = arith.addf %parallel_loop3A_79, %parallel_loop3A_76 : vector<16xf32>
        %parallel_loop3A_81 = arith.index_cast %parallel_loop3A_65 : i32 to index
        %parallel_loop3A_82 = arith.constant 0 : index
        %parallel_loop3A_83 = tpu.vector_load %arg14[%parallel_loop3A_81, %parallel_loop3A_82] {strides = array<i32>} : memref<640x16xf32, #tpu.memory_space<vmem>>, vector<16xf32>,
        tpu.vector_store %arg14[%parallel_loop3A_81, %parallel_loop3A_82], %parallel_loop3A_80 {strides = array<i32>} : memref<640x16xf32, #tpu.memory_space<vmem>>, vector<16xf32>,
        %parallel_loop3A_84 = arith.index_cast %parallel_loop3A_65 : i32 to index
        %parallel_loop3A_85 = arith.constant 0 : index
        %parallel_loop3A_86 = tpu.vector_load %arg15[%parallel_loop3A_84, %parallel_loop3A_85] {strides = array<i32>} : memref<640x16xf32, #tpu.memory_space<vmem>>, vector<16xf32>,
        %parallel_loop3A_87 = arith.mulf %parallel_loop3A_86, %parallel_loop3A_76 : vector<16xf32>
        %parallel_loop3A_88 = arith.index_cast %parallel_loop3A_65 : i32 to index
        %parallel_loop3A_89 = arith.constant 0 : index
        %parallel_loop3A_90 = tpu.vector_load %arg13[%parallel_loop3A_88, %parallel_loop3A_89] {strides = array<i32>} : memref<640x16xf32, #tpu.memory_space<vmem>>, vector<16xf32>,
        tpu.vector_store %arg13[%parallel_loop3A_88, %parallel_loop3A_89], %parallel_loop3A_87 {strides = array<i32>} : memref<640x16xf32, #tpu.memory_space<vmem>>, vector<16xf32>,
        %parallel_loop3A_91 = arith.constant 0.000000e+00 : f32
        %parallel_loop3A_92 = vector.broadcast %parallel_loop3A_91 : f32 to vector<16xf32>
        %parallel_loop3A_93 = arith.index_cast %parallel_loop3A_65 : i32 to index
        %parallel_loop3A_94 = arith.constant 0 : index
        %parallel_loop3A_95 = tpu.vector_load %arg16[%parallel_loop3A_93, %parallel_loop3A_94] {strides = array<i32>} : memref<640x16xf32, #tpu.memory_space<vmem>>, vector<16xf32>,
        tpu.vector_store %arg16[%parallel_loop3A_93, %parallel_loop3A_94], %parallel_loop3A_92 {strides = array<i32>} : memref<640x16xf32, #tpu.memory_space<vmem>>, vector<16xf32>,
      } {sc.loop_unroll_factor = 8 : i64, sc.parallel_access}
      "tpu.region"() ({
        %run_scoped3A = tpu.sem_alloc : memref<!tpu.dma_semaphore, #tpu.memory_space<semaphore_mem>>
        %dma_start3A_65 = arith.constant 0 : i32
        %dma_start3A_66 = tpu.memref_slice %arg8[%mul3A_0, %dma_start3A_65] : memref<10240x16xf32, #tpu.memory_space<vmem_shared>> -> memref<640x16xf32, #tpu.memory_space<vmem_shared>>
        %dma_start3A_67 = arith.constant 0 : i32
        %dma_start3A_68 = tpu.memref_slice %arg8[%mul3A_0, %dma_start3A_67] : memref<10240x16xf32, #tpu.memory_space<vmem_shared>> -> memref<640x16xf32, #tpu.memory_space<vmem_shared>>
        tpu.enqueue_dma source(%arg13 : memref<640x16xf32, #tpu.memory_space<vmem>>) target(%dma_start3A_68 : memref<640x16xf32, #tpu.memory_space<vmem_shared>>) target_semaphore(%run_scoped3A : memref<!tpu.dma_semaphore, #tpu.memory_space<semaphore_mem>>)
        %dma_wait3A_69 = arith.constant 0 : i32
        %dma_wait3A_70 = tpu.memref_slice %arg8[%mul3A_0, %dma_wait3A_69] : memref<10240x16xf32, #tpu.memory_space<vmem_shared>> -> memref<640x16xf32, #tpu.memory_space<vmem_shared>>
        %dma_wait3A_71 = arith.constant 0 : i32
        %dma_wait3A_72 = tpu.memref_slice %arg8[%mul3A_0, %dma_wait3A_71] : memref<10240x16xf32, #tpu.memory_space<vmem_shared>> -> memref<640x16xf32, #tpu.memory_space<vmem_shared>>
        tpu.wait_dma2 semaphore(%run_scoped3A : memref<!tpu.dma_semaphore, #tpu.memory_space<semaphore_mem>>) src(%arg13 : memref<640x16xf32, #tpu.memory_space<vmem>>) dst(%dma_wait3A_72 : memref<640x16xf32, #tpu.memory_space<vmem_shared>>)
        tpu.yield
      }) : () -> ()
      "tpu.region"() ({
        %run_scoped3A = tpu.sem_alloc : memref<!tpu.dma_semaphore, #tpu.memory_space<semaphore_mem>>
        %dma_start3A_65 = arith.constant 0 : i32
        %dma_start3A_66 = tpu.memref_slice %arg7[%mul3A_0, %dma_start3A_65] : memref<10240x16xf32, #tpu.memory_space<vmem_shared>> -> memref<640x16xf32, #tpu.memory_space<vmem_shared>>
        %dma_start3A_67 = arith.constant 0 : i32
        %dma_start3A_68 = tpu.memref_slice %arg7[%mul3A_0, %dma_start3A_67] : memref<10240x16xf32, #tpu.memory_space<vmem_shared>> -> memref<640x16xf32, #tpu.memory_space<vmem_shared>>
        tpu.enqueue_dma source(%arg16 : memref<640x16xf32, #tpu.memory_space<vmem>>) target(%dma_start3A_68 : memref<640x16xf32, #tpu.memory_space<vmem_shared>>) target_semaphore(%run_scoped3A : memref<!tpu.dma_semaphore, #tpu.memory_space<semaphore_mem>>)
        %dma_wait3A_69 = arith.constant 0 : i32
        %dma_wait3A_70 = tpu.memref_slice %arg7[%mul3A_0, %dma_wait3A_69] : memref<10240x16xf32, #tpu.memory_space<vmem_shared>> -> memref<640x16xf32, #tpu.memory_space<vmem_shared>>
        %dma_wait3A_71 = arith.constant 0 : i32
        %dma_wait3A_72 = tpu.memref_slice %arg7[%mul3A_0, %dma_wait3A_71] : memref<10240x16xf32, #tpu.memory_space<vmem_shared>> -> memref<640x16xf32, #tpu.memory_space<vmem_shared>>
        tpu.wait_dma2 semaphore(%run_scoped3A : memref<!tpu.dma_semaphore, #tpu.memory_space<semaphore_mem>>) src(%arg16 : memref<640x16xf32, #tpu.memory_space<vmem>>) dst(%dma_wait3A_72 : memref<640x16xf32, #tpu.memory_space<vmem_shared>>)
        tpu.yield
      }) : () -> ()
      %barrier3A_64 = arith.constant 0 : index
      tpu.barrier barrier_id(%barrier3A_64)
    }
    %scan3A_28 = arith.constant 8 : i32
    "tpu.region"() ({
      %run_scoped3A = tpu.sem_alloc : memref<!tpu.dma_semaphore, #tpu.memory_space<semaphore_mem>>
      %dma_start3A = arith.constant 0 : i32
      %dma_start3A_29 = tpu.memref_slice %arg6[%mul3A_0, %dma_start3A] : memref<10240x16xf32, #tpu.memory_space<hbm>> -> memref<640x16xf32, #tpu.memory_space<hbm>>
      %dma_start3A_30 = arith.constant 0 : i32
      %dma_start3A_31 = tpu.memref_slice %arg6[%mul3A_0, %dma_start3A_30] : memref<10240x16xf32, #tpu.memory_space<hbm>> -> memref<640x16xf32, #tpu.memory_space<hbm>>
      tpu.enqueue_dma source(%arg14 : memref<640x16xf32, #tpu.memory_space<vmem>>) target(%dma_start3A_31 : memref<640x16xf32, #tpu.memory_space<hbm>>) target_semaphore(%run_scoped3A : memref<!tpu.dma_semaphore, #tpu.memory_space<semaphore_mem>>)
      %dma_wait3A = arith.constant 0 : i32
      %dma_wait3A_32 = tpu.memref_slice %arg6[%mul3A_0, %dma_wait3A] : memref<10240x16xf32, #tpu.memory_space<hbm>> -> memref<640x16xf32, #tpu.memory_space<hbm>>
      %dma_wait3A_33 = arith.constant 0 : i32
      %dma_wait3A_34 = tpu.memref_slice %arg6[%mul3A_0, %dma_wait3A_33] : memref<10240x16xf32, #tpu.memory_space<hbm>> -> memref<640x16xf32, #tpu.memory_space<hbm>>
      tpu.wait_dma2 semaphore(%run_scoped3A : memref<!tpu.dma_semaphore, #tpu.memory_space<semaphore_mem>>) src(%arg14 : memref<640x16xf32, #tpu.memory_space<vmem>>) dst(%dma_wait3A_34 : memref<640x16xf32, #tpu.memory_space<hbm>>)
      tpu.yield
    }) : () -> ()
    return
  }
}

module attributes {stable_mosaic.version = 14 : i64} {
  func.func @mm(%arg0: i32, %arg1: memref<1024x128xf32, #tpu.memory_space<vmem>>, %arg2: memref<128x16xf32, #tpu.memory_space<vmem>>, %arg3: memref<1024x16xf32, #tpu.memory_space<vmem>>) attributes {dimension_semantics = [#tpu.dimension_semantics<arbitrary>], iteration_bounds = array<i64: 10>, scalar_prefetch = 0 : i64, scratch_operands = 0 : i64, tpu.core_type = #tpu.core_type<tc>, window_params = [{transform_indices = @transform_0, window_bounds = array<i64: 1024, 128>}, {pipeline_mode = #tpu.pipeline_mode<synchronous>, transform_indices = @transform_1, window_bounds = array<i64: 128, 16>}, {transform_indices = @transform_2, window_bounds = array<i64: 1024, 16>}]} {
    %get3A = arith.constant 0 : index
    %get3A_0 = arith.constant 0 : index
    %get3A_1 = vector.load %arg1[%get3A, %get3A_0] : memref<1024x128xf32, #tpu.memory_space<vmem>>, vector<1024x128xf32>
    %get3A_2 = arith.constant 0 : index
    %get3A_3 = arith.constant 0 : index
    %get3A_4 = vector.load %arg2[%get3A_2, %get3A_3] : memref<128x16xf32, #tpu.memory_space<vmem>>, vector<128x16xf32>
    %dot_general3A = arith.constant dense<0.000000e+00> : vector<1024x16xf32>
    %dot_general3A_5 = tpu.matmul %get3A_1, %get3A_4, %dot_general3A {dimension_numbers = #tpu.dot_dimension_numbers<[1], [0], [0], [1], [0, 0, 1, 1], [], []>, transpose_lhs_hint = false} : vector<1024x128xf32>, vector<128x16xf32>, vector<1024x16xf32> -> vector<1024x16xf32>
    %swap3A = arith.constant 0 : index
    %swap3A_6 = arith.constant 0 : index
    %swap3A_7 = vector.load %arg3[%swap3A, %swap3A_6] : memref<1024x16xf32, #tpu.memory_space<vmem>>, vector<1024x16xf32>
    tpu.vector_store %arg3[%swap3A, %swap3A_6], %dot_general3A_5 {strides = array<i32>} : memref<1024x16xf32, #tpu.memory_space<vmem>>, vector<1024x16xf32>,
    return
  }
  func.func @transform_0(%arg0: i32) -> (i32, i32) {
    %c0_i32 = arith.constant 0 : i32
    %c0_i32_0 = arith.constant 0 : i32
    return %arg0, %c0_i32 : i32, i32
  }
  func.func @transform_1(%arg0: i32) -> (i32, i32) {
    %c0_i32 = arith.constant 0 : i32
    %c0_i32_0 = arith.constant 0 : i32
    %c0_i32_1 = arith.constant 0 : i32
    return %c0_i32, %c0_i32_0 : i32, i32
  }
  func.func @transform_2(%arg0: i32) -> (i32, i32) {
    %c0_i32 = arith.constant 0 : i32
    %c0_i32_0 = arith.constant 0 : i32
    return %arg0, %c0_i32 : i32, i32
  }
}

</mosaic_0001>

<sc_bundles>
// kernel: kernel.4.cloned.1.call-start
scs
__scs_entry_jumppad:
0x0: {  	(pc) =	sbr.rel $0x88, $3  }
0x1: {  	(tag) =	ssettag $0x0;
	lr =	simm.s32 $0x1  }
0x2: {  	[smem:$0x3F9B] =	sst lr;
	_ =	strace $0xD0000000  }
0x3: {  	_ = 	snop  }
0x4: {  	_ = 	snop  }
0x5: {  	_ = 	snop  }
0x6: {  	_ = 	snop  }
0x7: {  	_ = 	snop  }
__scs_overlays_trampoline_lowered:
0x8: {  	[smem:$0x3FAA] =	sst s0  }
0x9: {  	[smem:$0x3FAB] =	sst s1  }
0xa: {  	[smem:$0x3FAC] =	sst s2  }
0xb: {  	[smem:$0x3FAD] =	sst s3  }
0xc: {  	[smem:$0x3FAE] =	sst s4  }
0xd: {  	[smem:$0x3FAF] =	sst s5  }
0xe: {  	[smem:$0x3FB0] =	sst s6  }
0xf: {  	[smem:$0x3FB1] =	sst s7  }
0x10: {  	[smem:$0x3FB2] =	sst s8  }
0x11: {  	[smem:$0x3FB3] =	sst s9;
	s0 =	simm.s32 @!p0 $0x0  }
0x12: {  	s1 =	sld [smem:$0x3F99];
	s0 =	simm.s32 @p0 $0x1  }
0x13: {  	[smem:$0x3FB4] =	sst s0;
	s0 =	simm.s32 @!p1 $0x0  }
0x14: {  	s2 =	sld [smem:$0x3F98];
	s0 =	simm.s32 @p1 $0x1  }
0x15: {  	[smem:$0x3FB5] =	sst s0;
	s0 =	simm.s32 @!p2 $0x0  }
0x16: {  	s3 =	sld [smem:$0x3FDB];
	s0 =	simm.s32 @p2 $0x1  }
0x17: {  	s4 =	simm.s32 $0x1BF5;
	[smem:$0x3FB7] =	sst s0  }
0x18: {  	s0 =	sld [smem:$0x3F9A];
	_ =	swait.ge [sflag:s4], $0x0  }
0x19: {  	s7 =	sld [smem:$0x3F9B]  }
0x1a: {  	s8 =	sadd.s32 $0xFFFFE003, lr  }
0x1b: {  	s9 =	sadd.s32 $0xFFFFFEF7, lr;
	s5 =	simm.s32 $0xFFFFFFFF;
	p2 =	slt.u32 s8, $0xFFFFF086  }
0x1c: {  	p1 =	slt.u32 s9, $0xF7A;
	s5 =	simm.s32 @!p2 $0x0  }
0x1d: {  	s5 =	simm.s32 @p1 $0x1;
	p0 =	seq.s32 s7, s2  }
0x1e: {  	s7 =	smul.u32 @!p0 $0xF7A, s2;
	p2 =	seq.s32 @!p0 s5, $0x0  }
0x1f: {  	s9 =	smul.u32 $0xF7A, s1;
	s8 =	simm.s32 @!p0 $0x1BF5;
	p2 =	por !p2, p0  }
0x20: {  	[sflag:s8] =	ssyncset.s32 @!p0 $0xFFFFF086;
	s6 =	sadd.s32 @!p0 s3, s7;
	s7 =	simm.s32 @!p0 $0x108  }
0x21: {  	s3 =	sadd.s32 s3, s9;
	s6 =	sadd.s32 @!p0 $0x88, s6;
	s7 =	simm.s32 @p2 $0x1082  }
0x22: {  	[simem:s7], [sflag:s8] =	dma.local @!p0 [hbm:s6], $0xF7A  }
0x23: {  	s9 =	sor.u32 $0xD0000000, s2;
	s6 =	simm.s32 $0x108;
	_ =	swait.ge @!p0 [sflag:s8], $0x0  }
0x24: {  	s3 =	sadd.s32 $0x88, s3;
	s6 =	simm.s32 @!p1 $0x1082;
	[sflag:s4] =	ssyncset.s32 $0xFFFFF086  }
0x25: {  	[simem:s6], [sflag:s4] =	dma.local [hbm:s3], $0xF7A  }
0x26: {  	[smem:$0x3F9B] =	sst s1;
	(tag) =	ssettag s2;
	_ =	strace s9  }
0x27: {  	s1 =	sld [smem:$0x3FAB]  }
0x28: {  	s2 =	sld [smem:$0x3FAC]  }
0x29: {  	s4 =	sld [smem:$0x3FAE]  }
0x2a: {  	p0 =	seq.s32 s5, $0x0;
	s5 =	sld [smem:$0x3FAF]  }
0x2b: {  	s6 =	sld [smem:$0x3FB0]  }
0x2c: {  	s7 =	sld [smem:$0x3FB1]  }
0x2d: {  	s3 =	simm.s32 $0x108;
	s8 =	sld [smem:$0x3FB2]  }
0x2e: {  	s3 =	simm.s32 @!p0 $0x1082;
	s9 =	sld [smem:$0x3FB3]  }
0x2f: {  	lr =	sadd.s32 s0, s3;
	s0 =	sld [smem:$0x3FAA]  }
0x30: {  	s3 =	sld [smem:$0x3FAD]  }
0x31: {  	[smem:$0x3FB6] =	sst s10  }
0x32: {  	s10 =	sld [smem:$0x3FB4];
	_ =	sdelay $0x3  }
0x33: {  	p0 =	seq.s32 s10, $0x1;
	s10 =	sld [smem:$0x3FB6];
	_ =	sdelay $0x3  }
0x34: {  	[smem:$0x3FB6] =	sst s10  }
0x35: {  	s10 =	sld [smem:$0x3FB5];
	_ =	sdelay $0x3  }
0x36: {  	p1 =	seq.s32 s10, $0x1;
	s10 =	sld [smem:$0x3FB6];
	_ =	sdelay $0x3  }
0x37: {  	[smem:$0x3FB6] =	sst s10  }
0x38: {  	s10 =	sld [smem:$0x3FB7]  }
0x39: {  	_ = 	snop;
	(pc) =	sbr.ind lr, $3  }
0x3a: {  	_ = 	snop  }
0x3b: {  	_ = 	snop  }
0x3c: {  	p2 =	seq.s32 s10, $0x1;
	s10 =	sld [smem:$0x3FB6]  }
0x3d: {  	_ =	shalt  }
0x3e: {  	_ =	shalt  }
0x3f: {  	_ =	shalt  }
0x40: {  	_ =	shalt  }
0x41: {  	_ =	shalt  }
0x42: {  	_ =	shalt  }
0x43: {  	_ =	shalt  }
0x44: {  	_ =	shalt  }
0x45: {  	_ =	shalt  }
0x46: {  	_ =	shalt  }
0x47: {  	_ =	shalt  }
0x48: {  	_ =	shalt  }
0x49: {  	_ =	shalt  }
0x4a: {  	_ =	shalt  }
0x4b: {  	_ =	shalt  }
0x4c: {  	_ =	shalt  }
0x4d: {  	_ =	shalt  }
0x4e: {  	_ =	shalt  }
0x4f: {  	_ =	shalt  }
0x50: {  	_ =	shalt  }
0x51: {  	_ =	shalt  }
0x52: {  	_ =	shalt  }
0x53: {  	_ =	shalt  }
0x54: {  	_ =	shalt  }
0x55: {  	_ =	shalt  }
0x56: {  	_ =	shalt  }
0x57: {  	_ =	shalt  }
0x58: {  	_ =	shalt  }
0x59: {  	_ =	shalt  }
0x5a: {  	_ =	shalt  }
0x5b: {  	_ =	shalt  }
0x5c: {  	_ =	shalt  }
0x5d: {  	_ =	shalt  }
0x5e: {  	_ =	shalt  }
0x5f: {  	_ =	shalt  }
0x60: {  	_ =	shalt  }
0x61: {  	_ =	shalt  }
0x62: {  	_ =	shalt  }
0x63: {  	_ =	shalt  }
0x64: {  	_ =	shalt  }
0x65: {  	_ =	shalt  }
0x66: {  	_ =	shalt  }
0x67: {  	_ =	shalt  }
0x68: {  	_ =	shalt  }
0x69: {  	_ =	shalt  }
0x6a: {  	_ =	shalt  }
0x6b: {  	_ =	shalt  }
0x6c: {  	_ =	shalt  }
0x6d: {  	_ =	shalt  }
0x6e: {  	_ =	shalt  }
0x6f: {  	_ =	shalt  }
0x70: {  	_ =	shalt  }
0x71: {  	_ =	shalt  }
0x72: {  	_ =	shalt  }
0x73: {  	_ =	shalt  }
0x74: {  	_ =	shalt  }
0x75: {  	_ =	shalt  }
0x76: {  	_ =	shalt  }
0x77: {  	_ =	shalt  }
0x78: {  	_ =	shalt  }
0x79: {  	_ =	shalt  }
0x7a: {  	_ =	shalt  }
0x7b: {  	_ =	shalt  }
0x7c: {  	_ =	shalt  }
0x7d: {  	_ =	shalt  }
0x7e: {  	_ =	shalt  }
0x7f: {  	_ =	shalt  }
0x80: {  	_ =	shalt  }
0x81: {  	_ =	shalt  }
0x82: {  	_ =	shalt  }
0x83: {  	_ =	shalt  }
0x84: {  	_ =	shalt  }
0x85: {  	_ =	shalt  }
0x86: {  	_ =	shalt  }
0x87: {  	_ =	shalt  }
.Lfunc_end0:
.L_simem_size_0:
called_computation_lowered:
.L_overlay_start_0:
0x88: {  	s0 =	sld [smem:$0x3FD9]  }
0x89: {  	s1 =	sld [smem:$0x3FFE];
	_ =	sdelay $0x3  }
0x8a: {  	s0 =	sadd.s32 s1, s0  }
0x8b: {  	[smem:$0x3FC2] =	sst s0  }
0x8c: {  	_ = 	snop  }
0x8d: {  	s0 =	sld [smem:$0x3FD0];
	(tm) =	ssettm $0x1  }
0x8e: {  	s16 =	sld [smem:$0x3FFB];
	_ =	sdelay $0x3  }
0x8f: {  	_ =	strace s16  }
0x90: {  	s1 =	sld [smem:$0x3FFC];
	_ =	sdelay $0x3  }
0x91: {  	_ =	strace s1  }
0x92: {  	s1 =	sld [smem:$0x3FFD];
	_ =	sdelay $0x3  }
0x93: {  	_ =	strace s1  }
0x94: {  	_ =	strace $0x8FFFFFFF  }
0x95: {  	s17 =	sld [smem:$0x3FDB];
	_ =	sdelay $0x1  }
0x96: {  	s2 =	simm.s32 $_scs_section_size  }
0x97: {  	s3 =	simm.s32 $_size__tile_overlayer_lowered;
	s4 =	simm.s32 $_tile_overlayer_lowered  }
0x98: {  	s20 =	simm.s32 $0x1BFF;
	s19 =	sshll.u32 s4, $0x1;
	s1 =	sadd.s32 s2, s17  }
0x99: {  	s5 =	simm.s32 $0x0;
	s18 =	sshll.u32 s3, $0x1;
	s3 =	sadd.s32 s19, s1  }
0x9a: {  	[timem:s5], [sflag:s20] =	dma.local [hbm:s3], s18  }
0x9b: {  	_ =	swait.ge [sflag:s20], s18  }
0x9c: {  	s2 =	ssub.s32 $0x0, s18;
	[sflag:s20] =	ssyncset.done $0x0  }
0x9d: {  	[sflag:s20] =	ssyncadd.s32 s2;
	_ =	sdelay $0x1  }
0x9e: {  	s21 =	simm.s32 $0x1B8B  }
0x9f: {  	_ =	swait.ge [sflag:s21], $0x1  }
0xa0: {  	[sflag:s21] =	ssyncset.done $0x0  }
0xa1: {  	s23 =	simm.s32 $0x1B8E;
	s22 =	sld [smem:$0x3FFE];
	[sflag:s21] =	ssyncadd.s32 $0xFFFFFFFF  }
0xa2: {  	s24 =	simm.s32 $execute0_lowered;
	[smem:$0x3FD2] =	sst s23  }
0xa3: {  	s3 =	sshll.u32 s24, $0x1;
	_ =	strace $0x80000046;
	[dreg:$0x1] =	wrdreg $0xFFFFFFFF  }
0xa4: {  	s25 =	simm.s32 $_size_execute0_lowered;
	s1 =	sadd.s32 s1, s3;
	[dreg:$0x0] =	wrdreg $0x0  }
0xa5: {  	s3 =	sshll.u32 s25, $0x1;
	[dreg:$0x2] =	wrdreg s1  }
0xa6: {  	[dreg:$0x3] =	wrdreg s3  }
0xa7: {  	[dreg:$0x4] =	wrdreg $0xC0  }
0xa8: {  	_ =	task [dreg:s5], $0x5FFFF  }
0xa9: {  	[dreg:$0x1] =	wrdreg $0xFFFFFFFF  }
0xaa: {  	[dreg:$0x0] =	wrdreg $0x60  }
0xab: {  	[dreg:$0x2] =	wrdreg s22  }
0xac: {  	[dreg:$0x3] =	wrdreg s0  }
0xad: {  	[dreg:$0x4] =	wrdreg $0x0  }
0xae: {  	[dreg:$0x5] =	wrdreg $0x28000  }
0xaf: {  	[dreg:$0x6] =	wrdreg $0x9  }
0xb0: {  	_ =	task.clear_ibuf [dreg:s5], $0x7FFFF;
	_ =	strace $0x90000046  }
0xb1: {  	s26 =	simm.s32 $0x9;
	_ =	strace $0x80000048  }
0xb2: {  	_ =	swait.ge [sflag:s26], $0x1  }
0xb3: {  	[sflag:s26] =	ssyncadd.s32 $0xFFFFFFFF  }
0xb4: {  	_ =	strace $0x90000048  }
0xb5: {  	_ =	sfence  }
0xb6: {  	s28 =	sld [smem:$0x0];
	_ =	sdelay $0x1  }
0xb7: {  	s29 =	srdreg.scid  }
0xb8: {  	s30 =	sshll.u32 s29, $0xD;
	s31 =	sshrl.u32 s29, $0x2  }
0xb9: {  	s2 =	sand.u32 $0x4000, s30;
	s1 =	sand.u32 $0x1, s29;
	s0 =	sadd.s32 s31, s28  }
0xba: {  	s1 =	sor.u32 s2, s1;
	s0 =	sshll.u32 s0, $0x11  }
0xbb: {  	s0 =	sor.u32 s0, s1  }
0xbc: {  	s0 =	sadd.s32 $0x8F2B, s0  }
0xbd: {  	[sflag:s0] =	ssyncadd.remote.s32 $0x1  }
0xbe: {  	_ =	sfence.sel $0xFFFF  }
0xbf: {  	[dreg:$0x0] =	wrdreg $0xFFFFFFFF;
	(pc) =	sbr.abs _section_cstart, $3  }
0xc0: {  	[dreg:$0x1] =	wrdreg $0xFFFFFFFF  }
0xc1: {  	_ =	task.clear_ibuf [dreg:s5], $0x2FFFF;
	_ =	strace $0x9FFFFFFF  }
0xc2: {  	(tm) =	ssettm $0x7FFFFFFF  }
0xc3: {  	_ =	shalt  }
tec
execute0_lowered:
.L_overlay_start_1:
0x0: {  	(tag) =	ssettag $0x1  }
0x1: {  	s4 =	rddreg [dreg:$0x0]  }
0x2: {  	s5 =	rddreg [dreg:$0x1]  }
0x3: {  	s2 =	rddreg [dreg:$0x2];
	s0 =	stileid.u32  }
0x4: {  	s3 =	rddreg [dreg:$0x3];
	s6 =	smul.u32 $0xA00, s0  }
0x5: {  	s1 =	rddreg [dreg:$0x4];
	s7 =	simm.s32 $0x0;
	s8 =	simm.s32 $0x5000  }
0x6: {  	s30 =	simm.s32 $0x3;
	[smem:$0x7FF] =	sst s7;
	s6 =	sadd.s32 s6, s4  }
0x7: {  	s29 =	smul.u32 $0x9E0, s0;
	_ =	strace $0x80000047;
	s6 =	sadd.s32 $0xF400, s6  }
0x8: {  	[tilespmem:s8], [sflag:$0x3] =	stream.linear.gather [hbm4b:s6+s7], $0x5000, $0x38;
	[tilespmem:$0x19F10] =	vst v63  }
0x9: {  	_ =	swait.ge [sflag:s30], $0x5000  }
0xa: {  	s6 =	sadd.s32 s29, s4;
	[sflag:s30] =	ssyncset.done $0x0  }
0xb: {  	s9 =	simm.s32 $0xA000;
	s6 =	sadd.s32 $0x5600, s6;
	[sflag:s30] =	ssyncadd.s32 $0xFFFFB000  }
0xc: {  	[tilespmem:s9], [sflag:$0x3] =	stream.linear.gather [hbm4b:s6+s7], $0x4F00, $0x38;
	[tilespmem:$0x19F10] =	vst v63  }
0xd: {  	_ =	swait.ge [sflag:s30], $0x4F00  }
0xe: {  	[sflag:s30] =	ssyncset.done $0x0  }
0xf: {  	s31 =	simm.s32 $0x19F00;
	[sflag:s30] =	ssyncadd.s32 $0xFFFFB100  }
0x10: {  	[tilespmem:s31], [sflag:$0x3] =	stream.linear.gather [hbm4b:s5+s7], $0x10, $0x38;
	[tilespmem:$0x19F10] =	vst v63  }
0x11: {  	_ =	swait.ge [sflag:s30], $0x10  }
0x12: {  	[sflag:s30] =	ssyncset.done $0x0  }
0x13: {  	v0 =	vimm.f32 $1.000000000e+00;
	s5 =	simm.s32 $0xEF40;
	[sflag:s30] =	ssyncadd.s32 $0xFFFFFFF0  }
0x14: {  	[tilespmem:s5+$0xFFFFFFC0] =	vst v0  }
0x15: {  	[tilespmem:s5+$0x30] =	vst v0  }
0x16: {  	[tilespmem:s5+$0x20] =	vst v0  }
0x17: {  	[tilespmem:s5+$0x10] =	vst v0  }
0x18: {  	[tilespmem:s5+$0x0] =	vst v0  }
0x19: {  	[tilespmem:s5+$0xFFFFFFF0] =	vst v0  }
0x1a: {  	s8 =	sadd.s32 $0x600, s4;
	s4 =	sadd.s32 $0x19400, s4;
	s6 =	simm.s32 $0x0;
	[tilespmem:s5+$0xFFFFFFE0] =	vst v0  }
.LBB2_1:
0x1b: {  	s6 =	sadd.s32 $0x8, s6;
	[tilespmem:s5+$0xFFFFFFD0] =	vst v0;
	s5 =	sadd.s32 $0x80, s5  }
0x1c: {  	[tilespmem:s5+$0xFFFFFFC0] =	vst v0;
	p0 =	slt.u32 s6, $0x78  }
0x1d: {  	[tilespmem:s5+$0x30] =	vst v0  }
.Ltmp0:
0x1e: {  	[tilespmem:s5+$0x20] =	vst v0;
	(pc) =	sbr.rel @p0 .LBB2_1-.Ltmp0, $4  }
0x1f: {  	[tilespmem:s5+$0x10] =	vst v0  }
0x20: {  	[tilespmem:s5+$0x0] =	vst v0  }
0x21: {  	[tilespmem:s5+$0xFFFFFFF0] =	vst v0  }
0x22: {  	[tilespmem:s5+$0xFFFFFFE0] =	vst v0  }
0x23: {  	[tilespmem:s5+$0xFFFFFFD0] =	vst v0;
	s5 =	simm.s32 $0x17740;
	v0 =	vimm.f32 $0.0e+00  }
0x24: {  	[tilespmem:s5+$0xFFFFFFC0] =	vst v0  }
0x25: {  	[tilespmem:s5+$0x30] =	vst v0  }
0x26: {  	[tilespmem:s5+$0x20] =	vst v0  }
0x27: {  	[tilespmem:s5+$0x10] =	vst v0  }
0x28: {  	[tilespmem:s5+$0x0] =	vst v0  }
0x29: {  	[tilespmem:s5+$0xFFFFFFF0] =	vst v0  }
0x2a: {  	s6 =	simm.s32 $0x0;
	[tilespmem:s5+$0xFFFFFFE0] =	vst v0  }
.LBB2_3:
0x2b: {  	s6 =	sadd.s32 $0x8, s6;
	[tilespmem:s5+$0xFFFFFFD0] =	vst v0;
	s5 =	sadd.s32 $0x80, s5  }
0x2c: {  	[tilespmem:s5+$0xFFFFFFC0] =	vst v0;
	p0 =	slt.u32 s6, $0x278  }
0x2d: {  	[tilespmem:s5+$0x30] =	vst v0  }
.Ltmp1:
0x2e: {  	[tilespmem:s5+$0x20] =	vst v0;
	(pc) =	sbr.rel @p0 .LBB2_3-.Ltmp1, $4  }
0x2f: {  	[tilespmem:s5+$0x10] =	vst v0  }
0x30: {  	[tilespmem:s5+$0x0] =	vst v0  }
0x31: {  	[tilespmem:s5+$0xFFFFFFF0] =	vst v0  }
0x32: {  	[tilespmem:s5+$0xFFFFFFE0] =	vst v0  }
0x33: {  	s7 =	smul.u32 $0x2800, s0;
	_ =	sdelay $0x1  }
0x34: {  	[tilespmem:s5+$0xFFFFFFD0] =	vst v0;
	s6 =	simm.s32 $0x17700;
	s31 =	simm.s32 $0x3;
	s5 =	sadd.s32 s7, s2  }
0x35: {  	[spmem:s5] =	stream.linear.scatter [tilespmem:s6], [sflag:$0x3], $0x2800, $0x38;
	[tilespmem:$0x19F10] =	vst v63  }
0x36: {  	_ =	swait.ge [sflag:s31], $0x2800  }
0x37: {  	[sflag:s31] =	ssyncset.done $0x0  }
0x38: {  	s9 =	simm.s32 $0x80;
	[sflag:s31] =	ssyncadd.s32 $0xFFFFD800  }
0x39: {  	s10 =	simm.s32 $0xEF00;
	s6 =	simm.s32 $0x0;
	[bflag:$0x0] =	sbarrier.arrive $0xFFFF  }
.LBB2_5:
0x3a: {  	p0 =	sne.s32 s6, $0x13A00  }
.Ltmp2:
0x3b: {  	_ = 	snop;
	(pc) =	sbr.rel @p0 .LBB2_5-.Ltmp2, $4  }
0x3c: {  	_ = 	snop  }
0x3d: {  	s11 =	sshra.s32 s6, $0x2  }
0x3e: {  	s6 =	sadd.s32 $0x200, s6;
	s11 =	sadd.s32 $0xA000, s11  }
0x3f: {  	[spmem:s2] =	stream.indirect.scatter.add.f32 [tilespmem:s10], [sflag:$0x2], $0x10, s11, s9, $0xb8;
	[tilespmem:$0x19F10] =	vst v63  }
0x40: {  	s6 =	simm.s32 $0x2  }
0x41: {  	_ =	swait.ge [sflag:s6], $0x800  }
0x42: {  	s9 =	simm.s32 $0x9D;
	[sflag:s6] =	ssyncset.done $0x0  }
.LBB2_7:
0x43: {  	p0 =	sne.s32 s9, $0x1;
	s9 =	sadd.s32 $0xFFFFFFFF, s9;
	[sflag:s6] =	ssyncadd.s32 $0xFFFFF800  }
.Ltmp3:
0x44: {  	(pc) =	sbr.rel @p0 .LBB2_7-.Ltmp3, $3  }
0x45: {  	_ =	sdelay $0x1  }
0x46: {  	_ =	swait.ge [sflag:s6], $0x800  }
0x47: {  	[sflag:s6] =	ssyncset.done $0x0  }
0x48: {  	[sflag:s6] =	ssyncadd.s32 $0xFFFFF800  }
0x49: {  	s30 =	simm.s32 $0x17700;
	s9 =	simm.s32 $0x3;
	[bflag:$0x0] =	sbarrier.arrive $0xFFFF  }
0x4a: {  	[tilespmem:s30], [sflag:$0x3] =	stream.linear.gather [spmem:s5], $0x2800, $0x38;
	[tilespmem:$0x19F10] =	vst v63  }
0x4b: {  	_ =	swait.ge [sflag:s9], $0x2800  }
0x4c: {  	s6 =	sshrl.u32 s7, $0x3;
	s10 =	simm.s32 $0x0;
	[sflag:s9] =	ssyncset.done $0x0  }
0x4d: {  	s11 =	simm.s32 $0xFF00;
	s8 =	sadd.s32 s8, s6;
	[sflag:s9] =	ssyncadd.s32 $0xFFFFD800  }
0x4e: {  	[tilespmem:s11], [sflag:$0x3] =	stream.linear.gather [hbm4b:s8+s10], $0x2800, $0x38;
	[tilespmem:$0x19F10] =	vst v63  }
0x4f: {  	_ =	swait.ge [sflag:s9], $0x2800  }
0x50: {  	[sflag:s9] =	ssyncset.done $0x0  }
0x51: {  	s8 =	simm.s32 $0x17740;
	[sflag:s9] =	ssyncadd.s32 $0xFFFFD800  }
0x52: {  	v0 =	vld [tilespmem:s8+$0x30]  }
0x53: {  	v1 =	vld [tilespmem:s8+$0xFFFFFFD0]  }
0x54: {  	v3 =	vld [tilespmem:s8+$0x10]  }
0x55: {  	v4 =	vld [tilespmem:s8+$0xFFFFFFC0]  }
0x56: {  	v6 =	vld [tilespmem:s8+$0x0]  }
0x57: {  	v7 =	vld [tilespmem:s8+$0xFFFFFFE0]  }
0x58: {  	v9 =	vld [tilespmem:s8+$0x20];
	v0 =	vadd.f32 $1.000000000e+00, v0;
	_ =	sdelay $0x1  }
0x59: {  	v2 =	vshrl.u32 v0, $0x1;
	v0 =	vmul.f32 $5.000000000e-01, v0  }
0x5a: {  	v1 =	vadd.f32 $1.000000000e+00, v1;
	v3 =	vadd.f32 $1.000000000e+00, v3;
	v2 =	vsub.s32 $0x5F3759DF, v2  }
0x5b: {  	v4 =	vadd.f32 $1.000000000e+00, v4;
	v6 =	vadd.f32 $1.000000000e+00, v6;
	v5 =	vmul.f32 v2, v0  }
0x5c: {  	v11 =	vld [tilespmem:s8+$0xFFFFFFF0];
	v7 =	vadd.f32 $1.000000000e+00, v7;
	v9 =	vadd.f32 $1.000000000e+00, v9  }
0x5d: {  	v8 =	vshrl.u32 v1, $0x1;
	v1 =	vmul.f32 $5.000000000e-01, v1;
	v5 =	vmul.f32 v2, v5  }
0x5e: {  	v12 =	vshrl.u32 v4, $0x1;
	v4 =	vmul.f32 $5.000000000e-01, v4;
	v14 =	vshrl.u32 v7, $0x1  }
0x5f: {  	v7 =	vmul.f32 $5.000000000e-01, v7;
	v8 =	vsub.s32 $0x5F3759DF, v8;
	v5 =	vsub.f32 $1.500000000e+00, v5  }
0x60: {  	v16 =	vmul.f32 $5.000000000e-01, v6;
	v14 =	vsub.s32 $0x5F3759DF, v14;
	v10 =	vmul.f32 v8, v1  }
0x61: {  	v11 =	vadd.f32 $1.000000000e+00, v11;
	v15 =	vmul.f32 v14, v7;
	v2 =	vmul.f32 v2, v5  }
0x62: {  	v17 =	vshrl.u32 v9, $0x1;
	v6 =	vshrl.u32 v6, $0x1;
	v10 =	vmul.f32 v8, v10  }
0x63: {  	v12 =	vsub.s32 $0x5F3759DF, v12;
	v15 =	vmul.f32 v14, v15;
	v13 =	vmul.f32 v2, v0  }
0x64: {  	v9 =	vmul.f32 $5.000000000e-01, v9;
	v6 =	vsub.s32 $0x5F3759DF, v6;
	v18 =	vmul.f32 v12, v4  }
0x65: {  	v10 =	vsub.f32 $1.500000000e+00, v10;
	v15 =	vsub.f32 $1.500000000e+00, v15;
	v13 =	vmul.f32 v13, v2  }
0x66: {  	v21 =	vmul.f32 v6, v16;
	v5 =	vshrl.u32 v3, $0x1;
	v3 =	vmul.f32 $5.000000000e-01, v3  }
0x67: {  	v8 =	vmul.f32 v8, v10;
	v14 =	vmul.f32 v14, v15;
	v10 =	vsub.f32 $1.500000000e+00, v13  }
0x68: {  	v5 =	vsub.s32 $0x5F3759DF, v5;
	v13 =	vmul.f32 $5.000000000e-01, v11;
	v11 =	vshrl.u32 v11, $0x1  }
0x69: {  	v19 =	vmul.f32 v5, v3;
	v11 =	vsub.s32 $0x5F3759DF, v11;
	v2 =	vmul.f32 v10, v2  }
0x6a: {  	v10 =	vsub.s32 $0x5F3759DF, v17;
	v17 =	vmul.f32 v8, v1;
	v20 =	vmul.f32 v11, v13  }
0x6b: {  	v22 =	vmul.f32 v10, v9;
	v0 =	vmul.f32 v2, v0  }
0x6c: {  	v17 =	vmul.f32 v17, v8;
	v20 =	vmul.f32 v11, v20  }
0x6d: {  	v15 =	vmul.f32 v10, v22;
	v0 =	vmul.f32 v0, v2  }
0x6e: {  	v18 =	vmul.f32 v12, v18;
	v17 =	vsub.f32 $1.500000000e+00, v17;
	v20 =	vsub.f32 $1.500000000e+00, v20  }
0x6f: {  	v19 =	vmul.f32 v5, v19;
	v15 =	vsub.f32 $1.500000000e+00, v15;
	v0 =	vsub.f32 $1.500000000e+00, v0  }
0x70: {  	v8 =	vmul.f32 v17, v8;
	v11 =	vmul.f32 v11, v20  }
0x71: {  	v10 =	vmul.f32 v10, v15;
	v2 =	vmul.f32 v0, v2;
	v0 =	vsub.f32 $1.500000000e+00, v18  }
0x72: {  	v17 =	vsub.f32 $1.500000000e+00, v19;
	v1 =	vmul.f32 v8, v1;
	v18 =	vmul.f32 v6, v21  }
0x73: {  	v12 =	vmul.f32 v12, v0;
	v0 =	vmul.f32 v14, v7  }
0x74: {  	v5 =	vmul.f32 v5, v17;
	v17 =	vmul.f32 v1, v8;
	v18 =	vsub.f32 $1.500000000e+00, v18  }
0x75: {  	v19 =	vmul.f32 v12, v4;
	v21 =	vmul.f32 v0, v14  }
0x76: {  	s31 =	simm.s32 $0x14F40;
	v6 =	vmul.f32 v6, v18;
	v18 =	vmul.f32 v11, v13  }
0x77: {  	s12 =	simm.s32 $0xFF40;
	v0 =	vld [tilespmem:$0x19F00];
	[tilespmem:s31+$0x30] =	vst v2;
	v17 =	vsub.f32 $1.500000000e+00, v17;
	v15 =	vmul.f32 v19, v12;
	v19 =	vmul.f32 v5, v3  }
0x78: {  	v22 =	vld [tilespmem:s12+$0x30];
	v1 =	vsub.f32 $1.500000000e+00, v21;
	v21 =	vmul.f32 v10, v9;
	v23 =	vmul.f32 v6, v16  }
0x79: {  	s9 =	simm.s32 $0x177C0;
	v18 =	vmul.f32 v18, v11;
	v8 =	vmul.f32 v17, v8  }
0x7a: {  	v53 =	vld [tilespmem:s9+$0xFFFFFFF0];
	v14 =	vmul.f32 v1, v14;
	v15 =	vsub.f32 $1.500000000e+00, v15;
	v20 =	vmul.f32 v21, v10  }
0x7b: {  	v29 =	vld [tilespmem:s9+$0x20];
	v19 =	vmul.f32 v19, v5;
	v23 =	vmul.f32 v23, v6;
	v18 =	vsub.f32 $1.500000000e+00, v18  }
0x7c: {  	v7 =	vmul.f32 v14, v7;
	v12 =	vmul.f32 v15, v12;
	v15 =	vsub.f32 $1.500000000e+00, v20;
	v20 =	vld [tilespmem:s9+$0xFFFFFFD0]  }
0x7d: {  	v19 =	vsub.f32 $1.500000000e+00, v19;
	v22 =	vmul.f32 v2, v22;
	v2 =	vld [tilespmem:s9+$0xFFFFFFC0];
	v11 =	vmul.f32 v18, v11  }
0x7e: {  	v21 =	vld [tilespmem:s9+$0x10];
	v7 =	vmul.f32 v7, v14;
	v10 =	vmul.f32 v15, v10  }
0x7f: {  	v54 =	vadd.f32 $1.000000000e+00, v53;
	v15 =	vld [tilespmem:s9+$0x30];
	v5 =	vmul.f32 v19, v5;
	v13 =	vmul.f32 v11, v13  }
0x80: {  	v4 =	vmul.f32 v12, v4;
	v7 =	vsub.f32 $1.500000000e+00, v7;
	v9 =	vmul.f32 v10, v9  }
0x81: {  	v29 =	vadd.f32 $1.000000000e+00, v29;
	v3 =	vmul.f32 v5, v3;
	v13 =	vmul.f32 v13, v11  }
0x82: {  	v19 =	vadd.f32 $1.000000000e+00, v20;
	v2 =	vadd.f32 $1.000000000e+00, v2;
	v14 =	vmul.f32 v7, v14  }
0x83: {  	v7 =	vsub.f32 $1.500000000e+00, v23;
	v23 =	vmul.f32 v4, v12;
	v4 =	vadd.f32 $1.000000000e+00, v21  }
0x84: {  	v3 =	vmul.f32 v3, v5;
	v9 =	vmul.f32 v9, v10;
	v15 =	vadd.f32 $1.000000000e+00, v15  }
0x85: {  	v13 =	vsub.f32 $1.500000000e+00, v13;
	v18 =	vshrl.u32 v19, $0x1;
	v19 =	vmul.f32 $5.000000000e-01, v19  }
0x86: {  	v28 =	vshrl.u32 v2, $0x1;
	v21 =	vshrl.u32 v15, $0x1;
	v15 =	vmul.f32 $5.000000000e-01, v15  }
0x87: {  	v2 =	vmul.f32 $5.000000000e-01, v2;
	v6 =	vmul.f32 v7, v6;
	v7 =	vld [tilespmem:s9+$0xFFFFFFE0];
	v21 =	vsub.s32 $0x5F3759DF, v21  }
0x88: {  	v18 =	vsub.s32 $0x5F3759DF, v18;
	v27 =	vshrl.u32 v4, $0x1;
	v25 =	vmul.f32 v21, v15  }
0x89: {  	[tilespmem:s31+$0xFFFFFFE0] =	vst v14;
	v30 =	vsub.f32 $1.500000000e+00, v3;
	v3 =	vmul.f32 $5.000000000e-01, v4;
	v11 =	vmul.f32 v13, v11  }
0x8a: {  	v26 =	vld [tilespmem:s12+$0xFFFFFFE0];
	v27 =	vsub.s32 $0x5F3759DF, v27;
	v16 =	vmul.f32 v6, v16;
	v17 =	vmul.f32 v21, v25  }
0x8b: {  	v23 =	vsub.f32 $1.500000000e+00, v23;
	v24 =	vmul.f32 v18, v19;
	v32 =	vmul.f32 v27, v3  }
0x8c: {  	v16 =	vmul.f32 v16, v6;
	v7 =	vadd.f32 $1.000000000e+00, v7;
	v4 =	vsub.f32 $1.500000000e+00, v17  }
0x8d: {  	v1 =	vimm.f32 $0.0e+00;
	[tilespmem:s31+$0xFFFFFFD0] =	vst v8;
	v20 =	vld [tilespmem:s9+$0x0];
	v12 =	vmul.f32 v23, v12;
	v24 =	vmul.f32 v18, v24  }
0x8e: {  	s10 =	simm.s32 $0x12740;
	[tilespmem:s12+$0x30] =	vst v22;
	v16 =	vsub.f32 $1.500000000e+00, v16;
	v17 =	vshrl.u32 v7, $0x1;
	v21 =	vmul.f32 v21, v4  }
0x8f: {  	v55 =	vld [tilespmem:s12+$0xFFFFFFD0];
	[tilespmem:s10+$0x30] =	vst v0;
	v4 =	vmul.f32 v14, v26;
	v14 =	vsub.s32 $0x5F3759DF, v17;
	v17 =	vsub.f32 $1.500000000e+00, v24  }
0x90: {  	[tilespmem:s8+$0x30] =	vst v1;
	v9 =	vsub.f32 $1.500000000e+00, v9;
	v16 =	vmul.f32 v16, v6;
	v56 =	vmul.f32 v21, v15  }
0x91: {  	v28 =	vsub.s32 $0x5F3759DF, v28;
	[tilespmem:s31+$0xFFFFFFF0] =	vst v11;
	v17 =	vmul.f32 v18, v17;
	v18 =	vmul.f32 v30, v5  }
0x92: {  	v20 =	vadd.f32 $1.000000000e+00, v20;
	v23 =	vmul.f32 v28, v2;
	v60 =	vmul.f32 v9, v10;
	[tilespmem:s31+$0x0] =	vst v16  }
0x93: {  	v57 =	vshrl.u32 v29, $0x1;
	v7 =	vmul.f32 $5.000000000e-01, v7;
	v58 =	vld [tilespmem:s12+$0x0];
	v26 =	vmul.f32 v56, v21;
	[tilespmem:s31+$0x10] =	vst v18  }
0x94: {  	[tilespmem:s31+$0xFFFFFFC0] =	vst v12;
	v25 =	vmul.f32 v8, v55;
	v8 =	vshrl.u32 v20, $0x1;
	v6 =	vmul.f32 $5.000000000e-01, v20;
	v20 =	vld [tilespmem:s12+$0x10]  }
0x95: {  	v23 =	vmul.f32 v28, v23;
	[tilespmem:s31+$0x20] =	vst v60;
	v22 =	vmul.f32 v14, v7;
	v26 =	vsub.f32 $1.500000000e+00, v26  }
0x96: {  	v61 =	vmul.f32 v27, v32;
	v8 =	vsub.s32 $0x5F3759DF, v8;
	[tilespmem:s12+$0xFFFFFFE0] =	vst v4;
	v4 =	vmul.f32 $5.000000000e-01, v54  }
0x97: {  	v23 =	vsub.f32 $1.500000000e+00, v23;
	[tilespmem:s12+$0xFFFFFFD0] =	vst v25;
	v22 =	vmul.f32 v14, v22;
	v21 =	vmul.f32 v26, v21  }
0x98: {  	[tilespmem:s10+$0xFFFFFFD0] =	vst v0;
	v24 =	vshrl.u32 v54, $0x1;
	v31 =	vmul.f32 v17, v19;
	v16 =	vmul.f32 v16, v58  }
0x99: {  	[tilespmem:s8+$0xFFFFFFD0] =	vst v1;
	v24 =	vsub.s32 $0x5F3759DF, v24;
	v15 =	vmul.f32 v21, v15;
	v18 =	vmul.f32 v18, v20;
	v20 =	vld [tilespmem:s12+$0xFFFFFFC0]  }
0x9a: {  	v5 =	vmul.f32 $5.000000000e-01, v29;
	[tilespmem:s10+$0xFFFFFFE0] =	vst v0;
	v22 =	vsub.f32 $1.500000000e+00, v22;
	v59 =	vmul.f32 v31, v17  }
0x9b: {  	v30 =	vsub.s32 $0x5F3759DF, v57;
	[tilespmem:s12+$0x0] =	vst v16;
	v16 =	vmul.f32 v24, v4;
	v15 =	vmul.f32 v15, v21  }
0x9c: {  	[tilespmem:s8+$0xFFFFFFE0] =	vst v1;
	v62 =	vmul.f32 v30, v5;
	v22 =	vmul.f32 v14, v22;
	v13 =	vsub.f32 $1.500000000e+00, v59  }
0x9d: {  	v16 =	vmul.f32 v24, v16;
	[tilespmem:s12+$0x10] =	vst v18;
	v18 =	vld [tilespmem:s12+$0x20];
	v9 =	vsub.f32 $1.500000000e+00, v15;
	v15 =	vmul.f32 v8, v6  }
0x9e: {  	[tilespmem:s10+$0x0] =	vst v0;
	v14 =	vmul.f32 v12, v20;
	v12 =	vmul.f32 v28, v23  }
0x9f: {  	[tilespmem:s8+$0x0] =	vst v1;
	v10 =	vmul.f32 v9, v21;
	v21 =	vld [tilespmem:s12+$0xFFFFFFF0];
	v9 =	vmul.f32 v13, v17  }
0xa0: {  	[tilespmem:s10+$0x10] =	vst v0;
	v17 =	vmul.f32 v30, v62;
	v20 =	vmul.f32 v8, v15  }
0xa1: {  	v13 =	vsub.f32 $1.500000000e+00, v61;
	v15 =	vmul.f32 v22, v7;
	[tilespmem:s12+$0xFFFFFFC0] =	vst v14;
	v14 =	vmul.f32 v12, v2  }
0xa2: {  	s11 =	simm.s32 $0x14FC0;
	[tilespmem:s8+$0x10] =	vst v1;
	v18 =	vmul.f32 v60, v18;
	v19 =	vmul.f32 v9, v19  }
0xa3: {  	[tilespmem:s11+$0x30] =	vst v10;
	v13 =	vmul.f32 v27, v13;
	v17 =	vsub.f32 $1.500000000e+00, v17;
	v23 =	vmul.f32 v14, v12  }
0xa4: {  	[tilespmem:s10+$0xFFFFFFC0] =	vst v0;
	v11 =	vmul.f32 v11, v21;
	v21 =	vmul.f32 v15, v22  }
0xa5: {  	s16 =	simm.s32 $0xFFC0;
	v16 =	vsub.f32 $1.500000000e+00, v16;
	[tilespmem:s12+$0x20] =	vst v18;
	v14 =	vmul.f32 v30, v17;
	v15 =	vmul.f32 v19, v9  }
0xa6: {  	[tilespmem:s8+$0xFFFFFFC0] =	vst v1;
	v19 =	vmul.f32 v13, v3;
	v17 =	vsub.f32 $1.500000000e+00, v21;
	v21 =	vsub.f32 $1.500000000e+00, v20;
	v20 =	vld [tilespmem:s16+$0x30]  }
0xa7: {  	v63 =	vmul.f32 v14, v5;
	[tilespmem:s12+$0xFFFFFFF0] =	vst v11;
	v11 =	vmul.f32 v24, v16  }
0xa8: {  	s14 =	simm.s32 $0x8;
	s15 =	simm.s32 $0x127C0;
	s17 =	simm.s32 $0x15040;
	[tilespmem:s10+$0xFFFFFFF0] =	vst v0;
	v16 =	vmul.f32 v17, v22;
	v22 =	vmul.f32 v19, v13  }
0xa9: {  	s18 =	simm.s32 $0x17840;
	s13 =	simm.s32 $0xFFC0;
	s12 =	simm.s32 $0x127C0;
	[tilespmem:s8+$0xFFFFFFF0] =	vst v1;
	v17 =	vsub.f32 $1.500000000e+00, v23;
	v18 =	vmul.f32 v11, v4;
	v19 =	vmul.f32 v63, v14  }
.LBB2_9:
0xaa: {  	s14 =	sadd.s32 $0x8, s14;
	v7 =	vmul.f32 v16, v7;
	v8 =	vmul.f32 v8, v21;
	v21 =	vsub.f32 $1.500000000e+00, v22;
	s15 =	sadd.s32 $0x80, s15;
	s16 =	sadd.s32 $0x80, s16;
	[tilespmem:s10+$0x20] =	vst v0  }
0xab: {  	v12 =	vmul.f32 v17, v12;
	s10 =	smov.u32 s12;
	v22 =	vld [tilespmem:s18+$0x10];
	p0 =	slt.u32 s14, $0x278;
	v17 =	vsub.f32 $1.500000000e+00, v19;
	v19 =	vmul.f32 v10, v20;
	[tilespmem:s8+$0x20] =	vst v1;
	s12 =	smov.u32 s15  }
0xac: {  	s8 =	smov.u32 s9;
	s9 =	smov.u32 s18;
	v20 =	vld [tilespmem:s18+$0xFFFFFFD0];
	v7 =	vmul.f32 v7, v16;
	v23 =	vmul.f32 v8, v6  }
0xad: {  	v18 =	vmul.f32 v18, v11;
	v24 =	vld [tilespmem:s18+$0xFFFFFFC0];
	v10 =	vmul.f32 v17, v14;
	[tilespmem:s13+$0x30] =	vst v19  }
0xae: {  	v13 =	vmul.f32 v21, v13;
	v14 =	vld [tilespmem:s18+$0x30];
	v7 =	vsub.f32 $1.500000000e+00, v7;
	v17 =	vmul.f32 v23, v8;
	[tilespmem:s10+$0x30] =	vst v0  }
0xaf: {  	v2 =	vmul.f32 v12, v2;
	v18 =	vsub.f32 $1.500000000e+00, v18;
	v19 =	vld [tilespmem:s18+$0x0];
	v5 =	vmul.f32 v10, v5;
	[tilespmem:s8+$0x30] =	vst v1  }
0xb0: {  	v3 =	vmul.f32 v13, v3;
	v16 =	vmul.f32 v7, v16;
	v7 =	vsub.f32 $1.500000000e+00, v17  }
0xb1: {  	v21 =	vmul.f32 v2, v12;
	v2 =	vsub.f32 $1.500000000e+00, v15;
	v17 =	vadd.f32 $1.000000000e+00, v20;
	v20 =	vld [tilespmem:s18+$0x20]  }
0xb2: {  	v18 =	vmul.f32 v18, v11;
	v22 =	vadd.f32 $1.000000000e+00, v22;
	v15 =	vadd.f32 $1.000000000e+00, v24;
	[tilespmem:s11+$0xFFFFFFE0] =	vst v16  }
0xb3: {  	v8 =	vmul.f32 v7, v8;
	v11 =	vshrl.u32 v17, $0x1;
	v23 =	vld [tilespmem:s18+$0xFFFFFFF0];
	v14 =	vadd.f32 $1.000000000e+00, v14  }
0xb4: {  	v24 =	vsub.s32 $0x5F3759DF, v11;
	v11 =	vmul.f32 $5.000000000e-01, v17;
	v7 =	vld [tilespmem:s18+$0xFFFFFFE0];
	v17 =	vmul.f32 v18, v4  }
0xb5: {  	v6 =	vmul.f32 v8, v6;
	v4 =	vshrl.u32 v14, $0x1;
	v14 =	vmul.f32 $5.000000000e-01, v14;
	v25 =	vld [tilespmem:s13+$0xFFFFFFE0]  }
0xb6: {  	v3 =	vmul.f32 v3, v13;
	v26 =	vmul.f32 v24, v11;
	v4 =	vsub.s32 $0x5F3759DF, v4  }
0xb7: {  	v27 =	vshrl.u32 v22, $0x1;
	v19 =	vadd.f32 $1.000000000e+00, v19;
	v28 =	vmul.f32 v4, v14  }
0xb8: {  	v9 =	vmul.f32 v2, v9;
	v29 =	vshrl.u32 v15, $0x1;
	v26 =	vmul.f32 v24, v26  }
0xb9: {  	v6 =	vmul.f32 v6, v8;
	v7 =	vadd.f32 $1.000000000e+00, v7;
	v28 =	vmul.f32 v4, v28  }
0xba: {  	v2 =	vmul.f32 $5.000000000e-01, v15;
	v15 =	vsub.s32 $0x5F3759DF, v27;
	v27 =	vsub.f32 $1.500000000e+00, v3  }
0xbb: {  	v3 =	vmul.f32 $5.000000000e-01, v22;
	v20 =	vadd.f32 $1.000000000e+00, v20;
	v22 =	vsub.f32 $1.500000000e+00, v28;
	[tilespmem:s11+$0xFFFFFFD0] =	vst v9  }
0xbc: {  	v6 =	vsub.f32 $1.500000000e+00, v6;
	v28 =	vshrl.u32 v7, $0x1;
	v7 =	vmul.f32 $5.000000000e-01, v7  }
0xbd: {  	v29 =	vsub.s32 $0x5F3759DF, v29;
	v22 =	vmul.f32 v4, v22;
	v4 =	vmul.f32 v16, v25  }
0xbe: {  	v23 =	vadd.f32 $1.000000000e+00, v23;
	v16 =	vsub.f32 $1.500000000e+00, v26;
	v25 =	vsub.s32 $0x5F3759DF, v28  }
0xbf: {  	v31 =	vmul.f32 v5, v10;
	v28 =	vshrl.u32 v20, $0x1;
	v26 =	vmul.f32 v25, v7;
	v30 =	vld [tilespmem:s13+$0xFFFFFFD0]  }
0xc0: {  	v32 =	vmul.f32 v6, v8;
	v28 =	vsub.s32 $0x5F3759DF, v28;
	v5 =	vmul.f32 v22, v14;
	[tilespmem:s13+$0xFFFFFFE0] =	vst v4  }
0xc1: {  	v13 =	vmul.f32 v27, v13;
	v6 =	vshrl.u32 v19, $0x1;
	v16 =	vmul.f32 v24, v16;
	[tilespmem:s10+$0xFFFFFFE0] =	vst v0  }
0xc2: {  	v8 =	vsub.s32 $0x5F3759DF, v6;
	v4 =	vmul.f32 $5.000000000e-01, v23;
	v24 =	vmul.f32 v5, v22;
	[tilespmem:s11+$0x0] =	vst v32  }
0xc3: {  	v6 =	vmul.f32 $5.000000000e-01, v19;
	v19 =	vsub.f32 $1.500000000e+00, v21;
	v5 =	vmul.f32 $5.000000000e-01, v20;
	v20 =	vld [tilespmem:s13+$0x0];
	[tilespmem:s11+$0x10] =	vst v13  }
0xc4: {  	v21 =	vmul.f32 v16, v11;
	v24 =	vsub.f32 $1.500000000e+00, v24;
	v9 =	vmul.f32 v9, v30;
	v27 =	vld [tilespmem:s13+$0x10]  }
0xc5: {  	v12 =	vmul.f32 v19, v12;
	v23 =	vshrl.u32 v23, $0x1;
	v30 =	vmul.f32 v15, v3;
	[tilespmem:s8+$0xFFFFFFE0] =	vst v1  }
0xc6: {  	v19 =	vmul.f32 v25, v26;
	v22 =	vmul.f32 v24, v22;
	[tilespmem:s13+$0xFFFFFFD0] =	vst v9;
	v9 =	vsub.f32 $1.500000000e+00, v31  }
0xc7: {  	v17 =	vmul.f32 v17, v18;
	v24 =	vmul.f32 v29, v2;
	[tilespmem:s10+$0xFFFFFFD0] =	vst v0  }
0xc8: {  	v14 =	vmul.f32 v22, v14;
	[tilespmem:s8+$0xFFFFFFD0] =	vst v1;
	v20 =	vmul.f32 v32, v20  }
0xc9: {  	v17 =	vsub.f32 $1.500000000e+00, v17;
	v21 =	vmul.f32 v21, v16;
	v24 =	vmul.f32 v29, v24  }
0xca: {  	v23 =	vsub.s32 $0x5F3759DF, v23;
	v14 =	vmul.f32 v14, v22;
	v13 =	vmul.f32 v13, v27;
	[tilespmem:s11+$0xFFFFFFC0] =	vst v12  }
0xcb: {  	v17 =	vmul.f32 v17, v18;
	v26 =	vmul.f32 v23, v4;
	v21 =	vsub.f32 $1.500000000e+00, v21;
	v27 =	vld [tilespmem:s13+$0xFFFFFFC0];
	[tilespmem:s13+$0x0] =	vst v20  }
0xcc: {  	v18 =	vmul.f32 v15, v30;
	v14 =	vsub.f32 $1.500000000e+00, v14;
	v20 =	vmul.f32 v9, v10;
	[tilespmem:s10+$0x0] =	vst v0  }
0xcd: {  	v19 =	vsub.f32 $1.500000000e+00, v19;
	v30 =	vmul.f32 v8, v6;
	v31 =	vmul.f32 v28, v5;
	[tilespmem:s11+$0xFFFFFFF0] =	vst v17  }
0xce: {  	v26 =	vmul.f32 v23, v26;
	v18 =	vsub.f32 $1.500000000e+00, v18;
	v10 =	vmul.f32 v14, v22;
	v14 =	vld [tilespmem:s13+$0xFFFFFFF0];
	[tilespmem:s11+$0x20] =	vst v20;
	s11 =	smov.u32 s17  }
0xcf: {  	v9 =	vmul.f32 v21, v16;
	v16 =	vmul.f32 v28, v31;
	v22 =	vsub.f32 $1.500000000e+00, v24;
	[tilespmem:s13+$0x10] =	vst v13;
	v24 =	vld [tilespmem:s13+$0x20]  }
0xd0: {  	v19 =	vmul.f32 v25, v19;
	v21 =	vmul.f32 v12, v27;
	[tilespmem:s8+$0x0] =	vst v1  }
0xd1: {  	v11 =	vmul.f32 v9, v11;
	v12 =	vmul.f32 v29, v22;
	v22 =	vsub.f32 $1.500000000e+00, v26;
	[tilespmem:s10+$0x10] =	vst v0  }
0xd2: {  	v25 =	vmul.f32 v8, v30;
	v13 =	vmul.f32 v15, v18;
	[tilespmem:s17+$0x30] =	vst v10  }
0xd3: {  	v15 =	vmul.f32 v19, v7;
	[tilespmem:s13+$0xFFFFFFC0] =	vst v21;
	v17 =	vmul.f32 v17, v14  }
0xd4: {  	v16 =	vsub.f32 $1.500000000e+00, v16;
	v14 =	vmul.f32 v12, v2;
	v21 =	vsub.f32 $1.500000000e+00, v25;
	[tilespmem:s8+$0x10] =	vst v1  }
0xd5: {  	v18 =	vmul.f32 v15, v19;
	v24 =	vmul.f32 v20, v24;
	[tilespmem:s10+$0xFFFFFFC0] =	vst v0  }
.Ltmp4:
0xd6: {  	v25 =	vmul.f32 v14, v12;
	v14 =	vmul.f32 v28, v16;
	[tilespmem:s13+$0xFFFFFFF0] =	vst v17;
	(pc) =	sbr.rel @p0 .LBB2_9-.Ltmp4, $4  }
0xd7: {  	v15 =	vmul.f32 v11, v9;
	v16 =	vsub.f32 $1.500000000e+00, v18;
	v18 =	vmul.f32 v13, v3;
	v20 =	vld [tilespmem:s16+$0x30];
	[tilespmem:s13+$0x20] =	vst v24;
	s13 =	smov.u32 s16  }
0xd8: {  	v11 =	vmul.f32 v23, v22;
	v17 =	vsub.f32 $1.500000000e+00, v25;
	v23 =	vmul.f32 v14, v5;
	[tilespmem:s10+$0xFFFFFFF0] =	vst v0  }
0xd9: {  	v16 =	vmul.f32 v16, v19;
	v22 =	vmul.f32 v18, v13;
	[tilespmem:s8+$0xFFFFFFF0] =	vst v1  }
0xda: {  	s18 =	sadd.s32 $0x80, s18;
	s17 =	sadd.s32 $0x80, s17;
	v18 =	vmul.f32 v11, v4;
	v19 =	vmul.f32 v23, v14;
	[tilespmem:s8+$0xFFFFFFC0] =	vst v1  }
0xdb: {  	v8 =	vmul.f32 v8, v21;
	v7 =	vmul.f32 v16, v7  }
0xdc: {  	v22 =	vsub.f32 $1.500000000e+00, v22;
	v12 =	vmul.f32 v17, v12;
	v10 =	vmul.f32 v10, v20  }
0xdd: {  	v15 =	vsub.f32 $1.500000000e+00, v15;
	v56 =	vmul.f32 v18, v11;
	v21 =	vmul.f32 v8, v6  }
0xde: {  	v7 =	vmul.f32 v7, v16;
	v13 =	vmul.f32 v22, v13  }
0xdf: {  	v9 =	vmul.f32 v15, v9;
	v2 =	vmul.f32 v12, v2;
	[tilespmem:s13+$0x30] =	vst v10;
	v10 =	vsub.f32 $1.500000000e+00, v56  }
0xe0: {  	v21 =	vmul.f32 v21, v8;
	v3 =	vmul.f32 v13, v3  }
0xe1: {  	v7 =	vsub.f32 $1.500000000e+00, v7;
	[tilespmem:s11+$0xFFFFFFD0] =	vst v9;
	v2 =	vmul.f32 v2, v12;
	v59 =	vmul.f32 v10, v11  }
0xe2: {  	[tilespmem:s10+$0x20] =	vst v0;
	v57 =	vld [tilespmem:s13+$0xFFFFFFD0];
	v21 =	vsub.f32 $1.500000000e+00, v21;
	v3 =	vmul.f32 v3, v13  }
0xe3: {  	[tilespmem:s8+$0x20] =	vst v1;
	v7 =	vmul.f32 v7, v16;
	v2 =	vsub.f32 $1.500000000e+00, v2;
	v4 =	vmul.f32 v59, v4  }
0xe4: {  	[tilespmem:s12+$0x30] =	vst v0;
	v8 =	vmul.f32 v21, v8;
	v3 =	vsub.f32 $1.500000000e+00, v3  }
0xe5: {  	[tilespmem:s11+$0xFFFFFFE0] =	vst v7;
	v2 =	vmul.f32 v2, v12;
	v4 =	vmul.f32 v4, v59  }
0xe6: {  	[tilespmem:s9+$0x30] =	vst v1;
	v54 =	vld [tilespmem:s13+$0xFFFFFFE0];
	v55 =	vmul.f32 v8, v6;
	v3 =	vmul.f32 v3, v13  }
0xe7: {  	v9 =	vmul.f32 v9, v57;
	[tilespmem:s11+$0xFFFFFFC0] =	vst v2  }
0xe8: {  	v4 =	vsub.f32 $1.500000000e+00, v4;
	v6 =	vmul.f32 v55, v8;
	[tilespmem:s11+$0x10] =	vst v3  }
0xe9: {  	[tilespmem:s13+$0xFFFFFFD0] =	vst v9  }
0xea: {  	v58 =	vsub.f32 $1.500000000e+00, v19;
	v62 =	vld [tilespmem:s13+$0xFFFFFFC0];
	[tilespmem:s12+$0xFFFFFFD0] =	vst v0;
	v4 =	vmul.f32 v4, v59;
	v6 =	vsub.f32 $1.500000000e+00, v6  }
0xeb: {  	v7 =	vmul.f32 v7, v54;
	[tilespmem:s9+$0xFFFFFFD0] =	vst v1  }
0xec: {  	v61 =	vld [tilespmem:s13+$0x10];
	[tilespmem:s11+$0xFFFFFFF0] =	vst v4;
	v6 =	vmul.f32 v6, v8;
	v8 =	vmul.f32 v58, v14  }
0xed: {  	[tilespmem:s13+$0xFFFFFFE0] =	vst v7  }
0xee: {  	[tilespmem:s12+$0xFFFFFFE0] =	vst v0;
	v5 =	vmul.f32 v8, v5  }
0xef: {  	v2 =	vmul.f32 v2, v62;
	[tilespmem:s11+$0x0] =	vst v6  }
0xf0: {  	[tilespmem:s9+$0xFFFFFFE0] =	vst v1;
	v5 =	vmul.f32 v5, v8  }
0xf1: {  	v63 =	vld [tilespmem:s13+$0xFFFFFFF0];
	v3 =	vmul.f32 v3, v61;
	[tilespmem:s13+$0xFFFFFFC0] =	vst v2  }
0xf2: {  	[tilespmem:s12+$0xFFFFFFC0] =	vst v0;
	v5 =	vsub.f32 $1.500000000e+00, v5  }
0xf3: {  	[tilespmem:s13+$0x10] =	vst v3  }
0xf4: {  	v60 =	vld [tilespmem:s13+$0x0];
	[tilespmem:s9+$0xFFFFFFC0] =	vst v1;
	v5 =	vmul.f32 v5, v8  }
0xf5: {  	[tilespmem:s12+$0x10] =	vst v0  }
0xf6: {  	v2 =	vmul.f32 v4, v63;
	[tilespmem:s11+$0x20] =	vst v5  }
0xf7: {  	[tilespmem:s9+$0x10] =	vst v1;
	v3 =	vld [tilespmem:s13+$0x20]  }
0xf8: {  	[tilespmem:s13+$0xFFFFFFF0] =	vst v2  }
0xf9: {  	v6 =	vmul.f32 v6, v60;
	[tilespmem:s12+$0xFFFFFFF0] =	vst v0  }
0xfa: {  	[tilespmem:s9+$0xFFFFFFF0] =	vst v1  }
0xfb: {  	[tilespmem:s13+$0x0] =	vst v6  }
0xfc: {  	[tilespmem:s12+$0x0] =	vst v0;
	v3 =	vmul.f32 v5, v3  }
0xfd: {  	[tilespmem:s9+$0x0] =	vst v1  }
0xfe: {  	[tilespmem:s13+$0x20] =	vst v3  }
0xff: {  	[tilespmem:s12+$0x20] =	vst v0  }
0x100: {  	s7 =	sadd.s32 s7, s3;
	s8 =	simm.s32 $0xFF00;
	[tilespmem:s9+$0x20] =	vst v1;
	s9 =	simm.s32 $0x3  }
0x101: {  	[spmem:s7] =	stream.linear.scatter [tilespmem:s8], [sflag:$0x3], $0x2800, $0x38;
	[tilespmem:$0x19F10] =	vst v63  }
0x102: {  	_ =	swait.ge [sflag:s9], $0x2800  }
0x103: {  	[sflag:s9] =	ssyncset.done $0x0  }
0x104: {  	s10 =	simm.s32 $0x17700;
	[sflag:s9] =	ssyncadd.s32 $0xFFFFD800  }
0x105: {  	[spmem:s5] =	stream.linear.scatter [tilespmem:s10], [sflag:$0x3], $0x2800, $0x38;
	[tilespmem:$0x19F10] =	vst v63  }
0x106: {  	s14 =	simm.s32 $0xEF00;
	s15 =	simm.s32 $0x5080;
	_ =	swait.ge [sflag:s9], $0x2800  }
0x107: {  	s16 =	simm.s32 $0xF700;
	s17 =	simm.s32 $0x1;
	[sflag:s9] =	ssyncset.done $0x0  }
0x108: {  	s18 =	simm.s32 $0x2;
	s11 =	simm.s32 $0x0;
	[sflag:s9] =	ssyncadd.s32 $0xFFFFD800  }
0x109: {  	s13 =	simm.s32 $0x5000;
	s12 =	simm.s32 $0x80;
	v0 =	vimm.f32 $0.0e+00;
	[bflag:$0x0] =	sbarrier.arrive $0xFFFF  }
.LBB2_11:
0x10a: {  	[tilespmem:s14], [sflag:$0x1] =	stream.indirect.gather [spmem:s3], $0x10, s13, s12, $0xb8;
	[tilespmem:$0x19F10] =	vst v63  }
0x10b: {  	_ = 	snop  }
0x10c: {  	[tilespmem:s16], [sflag:$0x2] =	stream.indirect.gather [spmem:s3], $0x10, s15, s12, $0xb8;
	[tilespmem:$0x19F10] =	vst v63  }
0x10d: {  	_ =	swait.ge [sflag:s17], $0x800  }
0x10e: {  	[sflag:s17] =	ssyncset.done $0x0  }
0x10f: {  	s19 =	simm.s32 $0xA000;
	[sflag:s17] =	ssyncadd.s32 $0xFFFFF800  }
0x110: {  	[spmem:s2] =	stream.indirect.scatter.add.f32 [tilespmem:s14], [sflag:$0x3], $0x10, s19, s12, $0xb8;
	[tilespmem:$0x19F10] =	vst v63  }
0x111: {  	_ =	swait.ge [sflag:s9], $0x800  }
0x112: {  	[sflag:s9] =	ssyncset.done $0x0  }
0x113: {  	s30 =	simm.s32 $0x5100;
	[sflag:s9] =	ssyncadd.s32 $0xFFFFF800  }
0x114: {  	[tilespmem:s14], [sflag:$0x1] =	stream.indirect.gather [spmem:s3], $0x10, s30, s12, $0xb8;
	[tilespmem:$0x19F10] =	vst v63  }
0x115: {  	_ =	swait.ge [sflag:s18], $0x800  }
0x116: {  	[sflag:s18] =	ssyncset.done $0x0  }
0x117: {  	s31 =	simm.s32 $0xA080;
	[sflag:s18] =	ssyncadd.s32 $0xFFFFF800  }
0x118: {  	[spmem:s2] =	stream.indirect.scatter.add.f32 [tilespmem:s16], [sflag:$0x3], $0x10, s31, s12, $0xb8;
	[tilespmem:$0x19F10] =	vst v63  }
0x119: {  	_ =	swait.ge [sflag:s9], $0x800  }
0x11a: {  	[sflag:s9] =	ssyncset.done $0x0  }
0x11b: {  	s20 =	simm.s32 $0x5180;
	s19 =	simm.s32 $0x400;
	[sflag:s9] =	ssyncadd.s32 $0xFFFFF800  }
.LBB2_12:
0x11c: {  	[tilespmem:s16], [sflag:$0x2] =	stream.indirect.gather [spmem:s3], $0x10, s20, s12, $0xb8;
	[tilespmem:$0x19F10] =	vst v63  }
0x11d: {  	s20 =	smov.u32 s19  }
0x11e: {  	p0 =	sne.s32 s19, $0x13800;
	s19 =	sadd.s32 $0x400, s19;
	_ =	swait.ge [sflag:s17], $0x800  }
0x11f: {  	s20 =	sshra.s32 s20, $0x2;
	[sflag:s17] =	ssyncset.done $0x0  }
0x120: {  	s21 =	sadd.s32 $0xA000, s20;
	[sflag:s17] =	ssyncadd.s32 $0xFFFFF800  }
0x121: {  	[spmem:s2] =	stream.indirect.scatter.add.f32 [tilespmem:s14], [sflag:$0x3], $0x10, s21, s12, $0xb8;
	[tilespmem:$0x19F10] =	vst v63  }
0x122: {  	_ =	swait.ge [sflag:s9], $0x800  }
0x123: {  	[sflag:s9] =	ssyncset.done $0x0  }
0x124: {  	s21 =	sadd.s32 $0x5100, s20;
	[sflag:s9] =	ssyncadd.s32 $0xFFFFF800  }
0x125: {  	[tilespmem:s14], [sflag:$0x1] =	stream.indirect.gather [spmem:s3], $0x10, s21, s12, $0xb8;
	[tilespmem:$0x19F10] =	vst v63  }
0x126: {  	_ =	swait.ge [sflag:s18], $0x800  }
0x127: {  	[sflag:s18] =	ssyncset.done $0x0  }
.Ltmp5:
0x128: {  	s21 =	sadd.s32 $0xA080, s20;
	[sflag:s18] =	ssyncadd.s32 $0xFFFFF800;
	(pc) =	sbr.rel @p0 .LBB2_12-.Ltmp5, $4  }
0x129: {  	[spmem:s2] =	stream.indirect.scatter.add.f32 [tilespmem:s16], [sflag:$0x3], $0x10, s21, s12, $0xb8;
	[tilespmem:$0x19F10] =	vst v63  }
0x12a: {  	_ =	swait.ge [sflag:s9], $0x800  }
0x12b: {  	[sflag:s9] =	ssyncset.done $0x0  }
0x12c: {  	s20 =	sadd.s32 $0x5180, s20;
	[sflag:s9] =	ssyncadd.s32 $0xFFFFF800  }
0x12d: {  	[tilespmem:s16], [sflag:$0x2] =	stream.indirect.gather [spmem:s3], $0x10, s20, s12, $0xb8;
	[tilespmem:$0x19F10] =	vst v63  }
0x12e: {  	_ =	swait.ge [sflag:s17], $0x800  }
0x12f: {  	[sflag:s17] =	ssyncset.done $0x0  }
0x130: {  	[sflag:s17] =	ssyncadd.s32 $0xFFFFF800  }
0x131: {  	_ =	swait.ge [sflag:s18], $0x800  }
0x132: {  	[sflag:s18] =	ssyncset.done $0x0  }
0x133: {  	[sflag:s18] =	ssyncadd.s32 $0xFFFFF800  }
0x134: {  	[bflag:$0x0] =	sbarrier.arrive $0xFFFF  }
0x135: {  	[tilespmem:s10], [sflag:$0x3] =	stream.linear.gather [spmem:s5], $0x2800, $0x38;
	[tilespmem:$0x19F10] =	vst v63  }
0x136: {  	_ =	swait.ge [sflag:s9], $0x2800  }
0x137: {  	[sflag:s9] =	ssyncset.done $0x0  }
0x138: {  	s19 =	simm.s32 $0x17740;
	[sflag:s9] =	ssyncadd.s32 $0xFFFFD800  }
0x139: {  	s20 =	simm.s32 $0xFF40;
	v1 =	vld [tilespmem:s19+$0x30]  }
0x13a: {  	v2 =	vld [tilespmem:s20+$0x30]  }
0x13b: {  	s25 =	simm.s32 $0x14F40;
	v3 =	vld [tilespmem:s19+$0xFFFFFFC0]  }
0x13c: {  	v4 =	vld [tilespmem:s25+$0x30]  }
0x13d: {  	s26 =	simm.s32 $0x12740;
	v5 =	vld [tilespmem:s20+$0xFFFFFFC0]  }
0x13e: {  	v6 =	vld [tilespmem:s26+$0x30]  }
0x13f: {  	v7 =	vld [tilespmem:s19+$0xFFFFFFD0]  }
0x140: {  	v8 =	vld [tilespmem:s19+$0xFFFFFFE0]  }
0x141: {  	v9 =	vld [tilespmem:s19+$0xFFFFFFF0]  }
0x142: {  	v10 =	vld [tilespmem:s20+$0xFFFFFFF0]  }
0x143: {  	v11 =	vld [tilespmem:s19+$0x0]  }
0x144: {  	v12 =	vld [tilespmem:s20+$0x0]  }
0x145: {  	v13 =	vld [tilespmem:s19+$0x10]  }
0x146: {  	v14 =	vld [tilespmem:s20+$0x10]  }
0x147: {  	v15 =	vld [tilespmem:s19+$0x20]  }
0x148: {  	v16 =	vld [tilespmem:s20+$0x20]  }
0x149: {  	v17 =	vld [tilespmem:s25+$0xFFFFFFD0]  }
0x14a: {  	v18 =	vld [tilespmem:s25+$0xFFFFFFE0]  }
0x14b: {  	v19 =	vld [tilespmem:s25+$0xFFFFFFF0]  }
0x14c: {  	v20 =	vld [tilespmem:s25+$0x0]  }
0x14d: {  	v21 =	vld [tilespmem:s25+$0xFFFFFFC0]  }
0x14e: {  	v22 =	vld [tilespmem:s25+$0x10]  }
0x14f: {  	v23 =	vld [tilespmem:s26+$0xFFFFFFC0]  }
0x150: {  	v48 =	vld [tilespmem:s26+$0x10]  }
0x151: {  	s21 =	simm.s32 $0x177C0;
	v49 =	vld [tilespmem:s26+$0x20]  }
0x152: {  	s22 =	simm.s32 $0xFFC0;
	v50 =	vld [tilespmem:s21+$0x30]  }
0x153: {  	v51 =	vld [tilespmem:s22+$0x30]  }
0x154: {  	s23 =	simm.s32 $0x14FC0;
	v52 =	vld [tilespmem:s21+$0xFFFFFFC0]  }
0x155: {  	v24 =	vld [tilespmem:s23+$0x30]  }
0x156: {  	s24 =	simm.s32 $0x127C0;
	v25 =	vld [tilespmem:s22+$0xFFFFFFC0]  }
0x157: {  	v26 =	vld [tilespmem:s24+$0x30]  }
0x158: {  	v27 =	vld [tilespmem:s21+$0xFFFFFFD0]  }
0x159: {  	v53 =	vld [tilespmem:s22+$0xFFFFFFD0]  }
0x15a: {  	v28 =	vld [tilespmem:s21+$0xFFFFFFE0]  }
0x15b: {  	v54 =	vld [tilespmem:s22+$0xFFFFFFE0]  }
0x15c: {  	v29 =	vld [tilespmem:s21+$0xFFFFFFF0]  }
0x15d: {  	v30 =	vld [tilespmem:s22+$0xFFFFFFF0]  }
0x15e: {  	v31 =	vld [tilespmem:s21+$0x0]  }
0x15f: {  	v55 =	vld [tilespmem:s22+$0x0]  }
0x160: {  	v56 =	vld [tilespmem:s22+$0x10]  }
0x161: {  	v57 =	vld [tilespmem:s24+$0xFFFFFFF0]  }
0x162: {  	v1 =	vadd.f32 v2, v1;
	v2 =	vld [tilespmem:s20+$0xFFFFFFD0]  }
0x163: {  	v11 =	vadd.f32 v12, v11;
	v12 =	vld [tilespmem:s25+$0x20]  }
0x164: {  	v1 =	vmul.f32 v1, v4;
	v4 =	vld [tilespmem:s20+$0xFFFFFFE0]  }
0x165: {  	v59 =	vld [tilespmem:s24+$0x10];
	v3 =	vadd.f32 v5, v3;
	v11 =	vmul.f32 v11, v20;
	v20 =	vadd.f32 v51, v50  }
0x166: {  	v5 =	vld [tilespmem:s26+$0xFFFFFFD0];
	v9 =	vadd.f32 v10, v9;
	v13 =	vadd.f32 v14, v13  }
0x167: {  	v10 =	vld [tilespmem:s26+$0x0];
	v15 =	vadd.f32 v16, v15;
	v3 =	vmul.f32 v3, v21;
	v20 =	vmul.f32 v20, v24  }
0x168: {  	v16 =	vmul.f32 v13, v22;
	v6 =	vadd.f32 v1, v6;
	v2 =	vadd.f32 v2, v7;
	v7 =	vld [tilespmem:s26+$0xFFFFFFE0]  }
0x169: {  	v13 =	vld [tilespmem:s21+$0x10];
	v32 =	vmul.f32 v15, v12;
	v26 =	vadd.f32 v20, v26;
	v4 =	vadd.f32 v4, v8  }
0x16a: {  	[tilespmem:s26+$0x30] =	vst v6;
	v8 =	vld [tilespmem:s26+$0xFFFFFFF0];
	v2 =	vmul.f32 v2, v17;
	v17 =	vadd.f32 v3, v23  }
0x16b: {  	v6 =	vld [tilespmem:s25+$0x30];
	v15 =	vadd.f32 v32, v49;
	[tilespmem:s24+$0x30] =	vst v26;
	v4 =	vmul.f32 v4, v18  }
0x16c: {  	v12 =	vld [tilespmem:s21+$0x20];
	v5 =	vadd.f32 v2, v5;
	[tilespmem:s26+$0xFFFFFFC0] =	vst v17  }
0x16d: {  	v9 =	vmul.f32 v9, v19;
	v14 =	vld [tilespmem:s23+$0x30];
	[tilespmem:s26+$0x20] =	vst v15;
	v7 =	vadd.f32 v4, v7  }
0x16e: {  	v17 =	vld [tilespmem:s25+$0xFFFFFFC0];
	[tilespmem:s26+$0xFFFFFFD0] =	vst v5;
	v5 =	vadd.f32 v11, v10  }
0x16f: {  	v15 =	vld [tilespmem:s23+$0xFFFFFFF0];
	v8 =	vadd.f32 v9, v8;
	[tilespmem:s26+$0xFFFFFFE0] =	vst v7  }
0x170: {  	v10 =	vld [tilespmem:s25+$0xFFFFFFD0];
	v1 =	vmul.f32 v6, v1;
	[tilespmem:s26+$0x0] =	vst v5  }
0x171: {  	v6 =	vadd.f32 v16, v48;
	v7 =	vld [tilespmem:s25+$0xFFFFFFE0];
	[tilespmem:s26+$0xFFFFFFF0] =	vst v8  }
0x172: {  	v5 =	vld [tilespmem:s25+$0x0];
	[tilespmem:s20+$0x30] =	vst v1  }
0x173: {  	v1 =	vld [tilespmem:s22+$0x20];
	[tilespmem:s26+$0x10] =	vst v6;
	v3 =	vmul.f32 v17, v3  }
0x174: {  	v8 =	vld [tilespmem:s25+$0xFFFFFFF0];
	[tilespmem:s19+$0x30] =	vst v0  }
0x175: {  	v6 =	vld [tilespmem:s23+$0xFFFFFFD0];
	v2 =	vmul.f32 v10, v2;
	[tilespmem:s20+$0xFFFFFFC0] =	vst v3  }
0x176: {  	v17 =	vld [tilespmem:s23+$0xFFFFFFE0];
	[tilespmem:s19+$0xFFFFFFC0] =	vst v0;
	v4 =	vmul.f32 v7, v4  }
0x177: {  	v3 =	vld [tilespmem:s23+$0x0];
	[tilespmem:s20+$0xFFFFFFD0] =	vst v2  }
0x178: {  	v5 =	vmul.f32 v5, v11;
	[tilespmem:s20+$0xFFFFFFE0] =	vst v4;
	v4 =	vld [tilespmem:s23+$0xFFFFFFC0]  }
0x179: {  	v10 =	vld [tilespmem:s24+$0xFFFFFFD0];
	v8 =	vmul.f32 v8, v9;
	[tilespmem:s19+$0xFFFFFFD0] =	vst v0  }
0x17a: {  	v9 =	vld [tilespmem:s24+$0xFFFFFFC0];
	[tilespmem:s20+$0x0] =	vst v5  }
0x17b: {  	v7 =	vld [tilespmem:s23+$0x10];
	v11 =	vadd.f32 v25, v52;
	[tilespmem:s20+$0xFFFFFFF0] =	vst v8;
	v8 =	vmul.f32 v14, v20  }
0x17c: {  	v5 =	vadd.f32 v53, v27;
	v14 =	vld [tilespmem:s24+$0xFFFFFFE0];
	[tilespmem:s19+$0xFFFFFFE0] =	vst v0  }
0x17d: {  	v58 =	vadd.f32 v54, v28;
	v2 =	vld [tilespmem:s23+$0x20];
	[tilespmem:s22+$0x30] =	vst v8;
	v8 =	vmul.f32 v11, v4  }
0x17e: {  	[tilespmem:s19+$0x0] =	vst v0;
	v6 =	vmul.f32 v5, v6;
	v11 =	vld [tilespmem:s24+$0x0];
	v4 =	vadd.f32 v30, v29  }
0x17f: {  	v60 =	vadd.f32 v55, v31;
	v62 =	vld [tilespmem:s25+$0x20];
	[tilespmem:s19+$0xFFFFFFF0] =	vst v0;
	v5 =	vmul.f32 v58, v17;
	v9 =	vadd.f32 v8, v9  }
0x180: {  	v13 =	vadd.f32 v56, v13;
	v17 =	vld [tilespmem:s24+$0x20];
	[tilespmem:s21+$0x30] =	vst v0;
	v10 =	vadd.f32 v6, v10;
	v4 =	vmul.f32 v4, v15  }
0x181: {  	v61 =	vld [tilespmem:s25+$0x10];
	v3 =	vmul.f32 v60, v3;
	v14 =	vadd.f32 v5, v14;
	[tilespmem:s24+$0xFFFFFFC0] =	vst v9;
	v9 =	vadd.f32 v1, v12  }
0x182: {  	[tilespmem:s24+$0xFFFFFFD0] =	vst v10;
	v1 =	vmul.f32 v13, v7;
	v7 =	vadd.f32 v4, v57;
	v13 =	vld [tilespmem:s23+$0xFFFFFFC0]  }
0x183: {  	[tilespmem:s24+$0xFFFFFFE0] =	vst v14;
	v12 =	vld [tilespmem:s23+$0xFFFFFFD0];
	v11 =	vadd.f32 v3, v11;
	v2 =	vmul.f32 v9, v2  }
0x184: {  	v10 =	vld [tilespmem:s23+$0xFFFFFFE0];
	v63 =	vadd.f32 v1, v59;
	[tilespmem:s24+$0xFFFFFFF0] =	vst v7  }
0x185: {  	s28 =	simm.s32 $0x8;
	v9 =	vld [tilespmem:s23+$0xFFFFFFF0];
	[tilespmem:s24+$0x0] =	vst v11;
	v15 =	vadd.f32 v2, v17  }
0x186: {  	s29 =	simm.s32 $0x17840;
	s26 =	simm.s32 $0x14FC0;
	s25 =	simm.s32 $0xFFC0;
	v14 =	vmul.f32 v61, v16;
	v7 =	vmul.f32 v62, v32;
	v11 =	vld [tilespmem:s23+$0x0];
	[tilespmem:s24+$0x10] =	vst v63  }
.LBB2_14:
0x187: {  	v16 =	vld [tilespmem:s29+$0x30];
	v8 =	vmul.f32 v13, v8;
	[tilespmem:s24+$0x20] =	vst v15;
	s22 =	sadd.s32 $0x80, s22  }
0x188: {  	v13 =	vld [tilespmem:s22+$0x30];
	v6 =	vmul.f32 v12, v6;
	[tilespmem:s20+$0x10] =	vst v14  }
0x189: {  	s28 =	sadd.s32 $0x8, s28;
	s23 =	sadd.s32 $0x80, s23;
	v12 =	vld [tilespmem:s29+$0xFFFFFFC0];
	[tilespmem:s25+$0xFFFFFFC0] =	vst v8;
	v5 =	vmul.f32 v10, v5  }
0x18a: {  	p0 =	slt.u32 s28, $0x278;
	v8 =	vld [tilespmem:s23+$0x30];
	[tilespmem:s21+$0xFFFFFFC0] =	vst v0;
	v4 =	vmul.f32 v9, v4  }
0x18b: {  	s24 =	sadd.s32 $0x80, s24;
	v9 =	vld [tilespmem:s22+$0xFFFFFFC0];
	[tilespmem:s25+$0xFFFFFFD0] =	vst v6;
	v3 =	vmul.f32 v11, v3  }
0x18c: {  	v6 =	vld [tilespmem:s24+$0x30];
	[tilespmem:s21+$0xFFFFFFD0] =	vst v0  }
0x18d: {  	v10 =	vld [tilespmem:s29+$0xFFFFFFD0];
	v11 =	vadd.f32 v13, v16;
	[tilespmem:s25+$0xFFFFFFE0] =	vst v5  }
0x18e: {  	v5 =	vld [tilespmem:s22+$0xFFFFFFD0];
	[tilespmem:s21+$0xFFFFFFE0] =	vst v0  }
0x18f: {  	v13 =	vld [tilespmem:s29+$0xFFFFFFE0];
	v8 =	vmul.f32 v11, v8;
	[tilespmem:s25+$0xFFFFFFF0] =	vst v4  }
0x190: {  	v9 =	vadd.f32 v9, v12;
	v4 =	vld [tilespmem:s22+$0xFFFFFFE0];
	[tilespmem:s21+$0xFFFFFFF0] =	vst v0  }
0x191: {  	v11 =	vld [tilespmem:s29+$0xFFFFFFF0];
	v6 =	vadd.f32 v8, v6;
	[tilespmem:s25+$0x0] =	vst v3  }
0x192: {  	v3 =	vld [tilespmem:s22+$0xFFFFFFF0];
	[tilespmem:s21+$0x0] =	vst v0  }
0x193: {  	v5 =	vadd.f32 v5, v10;
	v10 =	vld [tilespmem:s29+$0x0];
	[tilespmem:s24+$0x30] =	vst v6  }
0x194: {  	v6 =	vld [tilespmem:s23+$0x30];
	[tilespmem:s19+$0x10] =	vst v0  }
0x195: {  	v4 =	vadd.f32 v4, v13;
	v12 =	vld [tilespmem:s22+$0x0];
	[tilespmem:s20+$0x20] =	vst v7;
	s20 =	smov.u32 s25;
	s25 =	smov.u32 s22  }
0x196: {  	v7 =	vld [tilespmem:s29+$0x10];
	[tilespmem:s19+$0x20] =	vst v0;
	s19 =	smov.u32 s21;
	s21 =	smov.u32 s29  }
0x197: {  	v3 =	vadd.f32 v3, v11;
	v11 =	vld [tilespmem:s22+$0x10]  }
0x198: {  	v13 =	vld [tilespmem:s29+$0x20]  }
0x199: {  	v14 =	vld [tilespmem:s22+$0x20];
	v6 =	vmul.f32 v6, v8  }
0x19a: {  	v8 =	vld [tilespmem:s23+$0xFFFFFFD0];
	v10 =	vadd.f32 v12, v10  }
0x19b: {  	v12 =	vld [tilespmem:s23+$0xFFFFFFE0];
	[tilespmem:s22+$0x30] =	vst v6  }
0x19c: {  	v15 =	vld [tilespmem:s23+$0xFFFFFFF0];
	v7 =	vadd.f32 v11, v7;
	[tilespmem:s29+$0x30] =	vst v0  }
0x19d: {  	v11 =	vld [tilespmem:s23+$0x0]  }
0x19e: {  	v16 =	vld [tilespmem:s23+$0x10];
	v13 =	vadd.f32 v14, v13  }
0x19f: {  	v6 =	vmul.f32 v5, v8;
	v8 =	vld [tilespmem:s23+$0x20]  }
0x1a0: {  	v14 =	vld [tilespmem:s23+$0xFFFFFFC0];
	v5 =	vmul.f32 v4, v12  }
0x1a1: {  	v12 =	vld [tilespmem:s24+$0xFFFFFFC0];
	v4 =	vmul.f32 v3, v15  }
0x1a2: {  	v15 =	vld [tilespmem:s24+$0xFFFFFFD0];
	v3 =	vmul.f32 v10, v11  }
0x1a3: {  	v10 =	vld [tilespmem:s24+$0xFFFFFFE0];
	v7 =	vmul.f32 v7, v16  }
0x1a4: {  	v11 =	vld [tilespmem:s24+$0xFFFFFFF0];
	v16 =	vmul.f32 v13, v8  }
0x1a5: {  	v8 =	vmul.f32 v9, v14;
	v9 =	vld [tilespmem:s24+$0x0]  }
0x1a6: {  	v14 =	vld [tilespmem:s24+$0x10]  }
0x1a7: {  	v12 =	vadd.f32 v8, v12;
	v15 =	vadd.f32 v6, v15;
	v17 =	vld [tilespmem:s24+$0x20]  }
0x1a8: {  	v10 =	vadd.f32 v5, v10;
	v18 =	vld [tilespmem:s26+$0x10]  }
0x1a9: {  	[tilespmem:s24+$0xFFFFFFC0] =	vst v12;
	v11 =	vadd.f32 v4, v11;
	v19 =	vld [tilespmem:s26+$0x20];
	s26 =	smov.u32 s23  }
.Ltmp6:
0x1aa: {  	v13 =	vld [tilespmem:s23+$0xFFFFFFC0];
	[tilespmem:s24+$0xFFFFFFD0] =	vst v15;
	v20 =	vadd.f32 v3, v9;
	(pc) =	sbr.rel @p0 .LBB2_14-.Ltmp6, $4  }
0x1ab: {  	v12 =	vld [tilespmem:s23+$0xFFFFFFD0];
	[tilespmem:s24+$0xFFFFFFE0] =	vst v10;
	v21 =	vadd.f32 v7, v14  }
0x1ac: {  	v10 =	vld [tilespmem:s23+$0xFFFFFFE0];
	[tilespmem:s24+$0xFFFFFFF0] =	vst v11;
	v15 =	vadd.f32 v16, v17  }
0x1ad: {  	v9 =	vld [tilespmem:s23+$0xFFFFFFF0];
	[tilespmem:s24+$0x0] =	vst v20;
	v14 =	vmul.f32 v18, v1;
	v1 =	vmov v7  }
0x1ae: {  	s29 =	sadd.s32 $0x80, s29;
	v11 =	vld [tilespmem:s23+$0x0];
	[tilespmem:s24+$0x10] =	vst v21;
	v7 =	vmul.f32 v19, v2;
	v2 =	vmov v16  }
0x1af: {  	[tilespmem:s24+$0x20] =	vst v15  }
0x1b0: {  	[tilespmem:s20+$0x10] =	vst v14  }
0x1b1: {  	v8 =	vmul.f32 v13, v8;
	[tilespmem:s19+$0x10] =	vst v0  }
0x1b2: {  	[tilespmem:s20+$0x20] =	vst v7  }
0x1b3: {  	[tilespmem:s25+$0xFFFFFFC0] =	vst v8  }
0x1b4: {  	v6 =	vmul.f32 v12, v6;
	[tilespmem:s19+$0x20] =	vst v0  }
0x1b5: {  	[tilespmem:s21+$0xFFFFFFC0] =	vst v0  }
0x1b6: {  	v5 =	vmul.f32 v10, v5;
	[tilespmem:s25+$0xFFFFFFD0] =	vst v6  }
0x1b7: {  	v63 =	vld [tilespmem:s26+$0x10];
	[tilespmem:s21+$0xFFFFFFD0] =	vst v0;
	v3 =	vmul.f32 v11, v3  }
0x1b8: {  	[tilespmem:s25+$0xFFFFFFE0] =	vst v5  }
0x1b9: {  	v4 =	vmul.f32 v9, v4;
	[tilespmem:s25+$0x0] =	vst v3;
	v3 =	vld [tilespmem:s26+$0x20]  }
0x1ba: {  	[tilespmem:s21+$0xFFFFFFE0] =	vst v0  }
0x1bb: {  	[tilespmem:s25+$0xFFFFFFF0] =	vst v4  }
0x1bc: {  	v1 =	vmul.f32 v63, v1;
	[tilespmem:s21+$0xFFFFFFF0] =	vst v0  }
0x1bd: {  	[tilespmem:s21+$0x0] =	vst v0  }
0x1be: {  	[tilespmem:s25+$0x10] =	vst v1;
	v2 =	vmul.f32 v3, v2  }
0x1bf: {  	[tilespmem:s21+$0x10] =	vst v0  }
0x1c0: {  	[tilespmem:s25+$0x20] =	vst v2  }
0x1c1: {  	[tilespmem:s21+$0x20] =	vst v0  }
0x1c2: {  	[spmem:s7] =	stream.linear.scatter [tilespmem:s8], [sflag:$0x3], $0x2800, $0x38;
	[tilespmem:$0x19F10] =	vst v63  }
0x1c3: {  	_ =	swait.ge [sflag:s9], $0x2800  }
0x1c4: {  	s11 =	sadd.s32 $0x1, s11;
	[sflag:s9] =	ssyncset.done $0x0  }
0x1c5: {  	p0 =	sne.s32 s11, $0x8;
	[sflag:s9] =	ssyncadd.s32 $0xFFFFD800  }
0x1c6: {  	[spmem:s5] =	stream.linear.scatter [tilespmem:s10], [sflag:$0x3], $0x2800, $0x38;
	[tilespmem:$0x19F10] =	vst v63  }
.Ltmp7:
0x1c7: {  	_ =	swait.ge [sflag:s9], $0x2800;
	(pc) =	sbr.rel @p0 .LBB2_11-.Ltmp7, $3  }
0x1c8: {  	[sflag:s9] =	ssyncset.done $0x0  }
0x1c9: {  	[sflag:s9] =	ssyncadd.s32 $0xFFFFD800  }
0x1ca: {  	[bflag:$0x0] =	sbarrier.arrive $0xFFFF;
	_ =	sdelay $0x1  }
0x1cb: {  	s2 =	sadd.s32 s4, s6  }
0x1cc: {  	s3 =	simm.s32 $0x0;
	s30 =	simm.s32 $0x12700;
	s31 =	simm.s32 $0x3  }
0x1cd: {  	[hbm4b:s2+s3] =	stream.linear.scatter [tilespmem:s30], [sflag:$0x3], $0x2800, $0x38;
	[tilespmem:$0x19F10] =	vst v63  }
0x1ce: {  	_ =	swait.ge [sflag:s31], $0x2800  }
0x1cf: {  	[sflag:s31] =	ssyncset.done $0x0  }
0x1d0: {  	[sflag:s31] =	ssyncadd.s32 $0xFFFFD800  }
0x1d1: {  	_ =	sfence.sel $0x180000  }
0x1d2: {  	[bflag:$0x0] =	sbarrier.arrive $0xFFFF  }
0x1d3: {  	p0 =	sne.s32 s0, $0x0;
	_ =	strace $0x90000047  }
0x1d4: {  	s0 =	sadd.s32 @!p0 $0x100000, s1;
	[bflag:$0x2] =	sbarrier.arrive $0xFFFF  }
0x1d5: {  	[sflag:s0] =	ssyncadd.tile.s32 @!p0 $0x1;
	_ =	shalt  }
.Lfunc_end2:
_tile_overlayer_lowered:
.L_overlay_start_2:
0x1d6: {  	(tag) =	ssettag $0x2  }
0x1d7: {  	s0 =	rddreg [dreg:$0x0];
	s2 =	stileid.u32  }
0x1d8: {  	s1 =	rddreg [dreg:$0x1];
	p0 =	sne.s32 s2, $0x0  }
0x1d9: {  	s3 =	rddreg [dreg:$0x2];
	[bflag:$0x3] =	sbarrier.arrive $0xFFFF;
	s2 =	simm.s32 @!p0 $0x1C03  }
0x1da: {  	[timem:s3], [sflag:s2] =	dma.local @!p0 [hbm:s0], s1  }
0x1db: {  	s0 =	simm.s32 @!p0 $0x3  }
0x1dc: {  	_ =	swait.ge @!p0 [sflag:s0], s1  }
0x1dd: {  	s1 =	ssub.s32 @!p0 $0x0, s1;
	[sflag:s0] =	ssyncset.done @!p0 $0x0  }
0x1de: {  	[sflag:s0] =	ssyncadd.s32 @!p0 s1  }
0x1df: {  	[bflag:$0x3] =	sbarrier.arrive $0xFFFF  }
0x1e0: {  	_ =	shalt  }

</sc_bundles>
